<compile_context>
chip_gen: v7x
topology: tpu7x:2x2x1
jax: 0.10.2.dev20260603
libtpu: 0.0.44.dev20260713+nightly
codegen_flags: <defaults>
</compile_context>

<pallas_src>
import functools

import jax
import jax.numpy as jnp
from jax import lax
from jax.experimental import pallas as pl
from jax.experimental.pallas import tpu as pltpu
from jax.experimental.pallas import tpu_sc as plsc

_N_FIELDS = 26
_VOCAB = 100000
_DIM = 64
_BATCH = 16384
_NC = 2
_NS = 16
_NW = _NC * _NS
_BPW = _BATCH // _NW
_LANES = 16


def _sc_body(x_hbm, tab_hbm, out_hbm, *rest):
    idx_v = rest[0]
    idx_f = rest[1:1 + _N_FIELDS]
    acc = rest[1 + _N_FIELDS]
    sem = rest[2 + _N_FIELDS]

    c = lax.axis_index("c")
    s = lax.axis_index("s")
    wid = s * _NC + c
    base = wid * _BPW

    for f in range(_N_FIELDS):
        pltpu.sync_copy(x_hbm.at[pl.ds(f * _BATCH + base, _BPW)],
                        idx_v.at[pl.ds(f * _BPW, _BPW)])

    zeros = jnp.zeros((_LANES,), jnp.float32)

    def zero_body(i, _):
        for j in range(_DIM // _LANES):
            acc[i, pl.ds(j * _LANES, _LANES)] = zeros
        return 0
    lax.fori_loop(0, _BPW, zero_body, 0)

    copies = []
    for f in range(_N_FIELDS):
        dst = idx_f[f]

        def fill_body(i, _, f=f, dst=dst):
            sl = pl.ds(i * _LANES, _LANES)
            sl_src = pl.ds(f * _BPW + i * _LANES, _LANES)
            dst[sl] = idx_v[sl_src] + f * _VOCAB
            return 0
        lax.fori_loop(0, _BPW // _LANES, fill_body, 0)
        copies.append(pltpu.async_copy(tab_hbm.at[dst], acc, sem, add=True))

    for cp in copies:
        cp.wait()

    pltpu.sync_copy(acc, out_hbm.at[pl.ds(base, _BPW)])


@jax.jit
def kernel(x, tables):
    x1 = x.T.reshape(_N_FIELDS * _BATCH)
    tab = tables.reshape(_N_FIELDS * _VOCAB, _DIM)
    scratch = [pltpu.VMEM((_N_FIELDS * _BPW,), jnp.int32)]
    scratch += [pltpu.VMEM((_BPW,), jnp.int32) for _ in range(_N_FIELDS)]
    scratch += [pltpu.VMEM((_BPW, _DIM), jnp.float32), pltpu.SemaphoreType.DMA]
    run = functools.partial(
        pl.kernel,
        out_type=jax.ShapeDtypeStruct((_BATCH, _DIM), jnp.float32),
        mesh=plsc.VectorSubcoreMesh(core_axis_name="c", subcore_axis_name="s"),
        compiler_params=pltpu.CompilerParams(use_tc_tiling_on_sc=False),
        scratch_types=scratch,
    )(_sc_body)
    return run(x1, tab)

# --- scband reference (transcript-rebuilt; emitter-appended) ---
"""Pipeline reference for scband-feature-sum-encoder-31284541784439 (READ-ONLY COPY).

The authoritative reference and input builder live on the scoring server;
editing this copy changes nothing except your own understanding.
"""

import jax, jax.numpy as jnp
import numpy as np

N_FIELDS = 26
VOCAB = 100000
DIM = 64
BATCH = 16384


def setup_inputs(seed: int = 0) -> dict:
    key = jax.random.key(seed)
    k_idx, k_tab = jax.random.split(key)
    x = jax.random.randint(k_idx, (BATCH, N_FIELDS), 0, VOCAB, dtype=jnp.int32)
    # One embedding table per field, all same (vocab, dim) -> stacked [N_FIELDS, VOCAB, DIM]
    tables = jax.random.normal(k_tab, (N_FIELDS, VOCAB, DIM), dtype=jnp.float32)
    return {"x": x, "tables": tables}


def reference(x, tables):
    # Faithful translation: x_embedding = sum_i embedding_list[i](x[..., i])
    def gather_one(table, idx):
        return jnp.take(table, idx, axis=0)  # [BATCH, DIM]
    gathered = jax.vmap(gather_one, in_axes=(0, 1))(tables, x)  # [N_FIELDS, BATCH, DIM]
    return jnp.sum(gathered, axis=0)  # [BATCH, DIM]

if __name__ == "__main__":
    import jax
    _d = setup_inputs()
    print(jax.jit(kernel)(*tuple(_d.values())))

</pallas_src>

<mosaic_0001>
#map = affine_map<(d0, d1) -> (0)>
#map1 = affine_map<(d0, d1) -> (0, 0)>
module attributes {stable_mosaic.version = 14 : i64} {
  func.func @_sc_body(%arg0: i32, %arg1: i32, %arg2: memref<425984xi32, #tpu.memory_space<hbm>>, %arg3: memref<2600000x64xf32, #tpu.memory_space<hbm>>, %arg4: memref<16384x64xf32, #tpu.memory_space<hbm>>, %arg5: memref<13312xi32, #tpu.memory_space<vmem>>, %arg6: memref<512xi32, #tpu.memory_space<vmem>>, %arg7: memref<512xi32, #tpu.memory_space<vmem>>, %arg8: memref<512xi32, #tpu.memory_space<vmem>>, %arg9: memref<512xi32, #tpu.memory_space<vmem>>, %arg10: memref<512xi32, #tpu.memory_space<vmem>>, %arg11: memref<512xi32, #tpu.memory_space<vmem>>, %arg12: memref<512xi32, #tpu.memory_space<vmem>>, %arg13: memref<512xi32, #tpu.memory_space<vmem>>, %arg14: memref<512xi32, #tpu.memory_space<vmem>>, %arg15: memref<512xi32, #tpu.memory_space<vmem>>, %arg16: memref<512xi32, #tpu.memory_space<vmem>>, %arg17: memref<512xi32, #tpu.memory_space<vmem>>, %arg18: memref<512xi32, #tpu.memory_space<vmem>>, %arg19: memref<512xi32, #tpu.memory_space<vmem>>, %arg20: memref<512xi32, #tpu.memory_space<vmem>>, %arg21: memref<512xi32, #tpu.memory_space<vmem>>, %arg22: memref<512xi32, #tpu.memory_space<vmem>>, %arg23: memref<512xi32, #tpu.memory_space<vmem>>, %arg24: memref<512xi32, #tpu.memory_space<vmem>>, %arg25: memref<512xi32, #tpu.memory_space<vmem>>, %arg26: memref<512xi32, #tpu.memory_space<vmem>>, %arg27: memref<512xi32, #tpu.memory_space<vmem>>, %arg28: memref<512xi32, #tpu.memory_space<vmem>>, %arg29: memref<512xi32, #tpu.memory_space<vmem>>, %arg30: memref<512xi32, #tpu.memory_space<vmem>>, %arg31: memref<512xi32, #tpu.memory_space<vmem>>, %arg32: memref<512x64xf32, #tpu.memory_space<vmem>>, %arg33: memref<!tpu.dma_semaphore, #tpu.memory_space<semaphore_mem>>) attributes {dimension_semantics = [#tpu.dimension_semantics<core_parallel>, #tpu.dimension_semantics<subcore_parallel>], iteration_bounds = array<i64: 2, 16>, scalar_prefetch = 0 : i64, scratch_operands = 29 : i64, tpu.core_type = #tpu.core_type<sc_vector_subcore>, window_params = [{transform_indices = #map}, {transform_indices = #map1}, {transform_indices = #map1}]} {
    %mul3A = arith.constant 2 : i32
    %mul3A_0 = arith.muli %arg1, %mul3A : i32
    %add3A = arith.addi %mul3A_0, %arg0 : i32
    %mul3A_1 = arith.constant 512 : i32
    %mul3A_2 = arith.muli %add3A, %mul3A_1 : i32
    %add3A_3 = arith.constant 0 : i32
    %add3A_4 = arith.addi %add3A_3, %mul3A_2 : i32
    "tpu.region"() ({
      %run_scoped3A = tpu.sem_alloc : memref<!tpu.dma_semaphore, #tpu.memory_space<semaphore_mem>>
      %dma_start3A_398 = arith.constant 0 : i32
      %dma_start3A_399 = tpu.memref_slice %arg5[%dma_start3A_398] : memref<13312xi32, #tpu.memory_space<vmem>> -> memref<512xi32, #tpu.memory_space<vmem>>
      %dma_start3A_400 = tpu.memref_slice %arg2[%add3A_4] : memref<425984xi32, #tpu.memory_space<hbm>> -> memref<512xi32, #tpu.memory_space<hbm>>
      %dma_start3A_401 = arith.constant 0 : i32
      %dma_start3A_402 = tpu.memref_slice %arg5[%dma_start3A_401] : memref<13312xi32, #tpu.memory_space<vmem>> -> memref<512xi32, #tpu.memory_space<vmem>>
      %dma_start3A_403 = tpu.memref_slice %arg2[%add3A_4] : memref<425984xi32, #tpu.memory_space<hbm>> -> memref<512xi32, #tpu.memory_space<hbm>>
      tpu.enqueue_dma source(%dma_start3A_403 : memref<512xi32, #tpu.memory_space<hbm>>) target(%dma_start3A_402 : memref<512xi32, #tpu.memory_space<vmem>>) target_semaphore(%run_scoped3A : memref<!tpu.dma_semaphore, #tpu.memory_space<semaphore_mem>>)
      %dma_wait3A_404 = arith.constant 0 : i32
      %dma_wait3A_405 = tpu.memref_slice %arg5[%dma_wait3A_404] : memref<13312xi32, #tpu.memory_space<vmem>> -> memref<512xi32, #tpu.memory_space<vmem>>
      %dma_wait3A_406 = tpu.memref_slice %arg2[%add3A_4] : memref<425984xi32, #tpu.memory_space<hbm>> -> memref<512xi32, #tpu.memory_space<hbm>>
      %dma_wait3A_407 = arith.constant 0 : i32
      %dma_wait3A_408 = tpu.memref_slice %arg5[%dma_wait3A_407] : memref<13312xi32, #tpu.memory_space<vmem>> -> memref<512xi32, #tpu.memory_space<vmem>>
      %dma_wait3A_409 = tpu.memref_slice %arg2[%add3A_4] : memref<425984xi32, #tpu.memory_space<hbm>> -> memref<512xi32, #tpu.memory_space<hbm>>
      tpu.wait_dma2 semaphore(%run_scoped3A : memref<!tpu.dma_semaphore, #tpu.memory_space<semaphore_mem>>) src(%dma_wait3A_409 : memref<512xi32, #tpu.memory_space<hbm>>) dst(%dma_wait3A_408 : memref<512xi32, #tpu.memory_space<vmem>>)
      tpu.yield
    }) : () -> ()
    %add3A_5 = arith.constant 16384 : i32
    %add3A_6 = arith.addi %add3A_5, %mul3A_2 : i32
    "tpu.region"() ({
      %run_scoped3A = tpu.sem_alloc : memref<!tpu.dma_semaphore, #tpu.memory_space<semaphore_mem>>
      %dma_start3A_398 = arith.constant 512 : i32
      %dma_start3A_399 = tpu.memref_slice %arg5[%dma_start3A_398] : memref<13312xi32, #tpu.memory_space<vmem>> -> memref<512xi32, #tpu.memory_space<vmem>>
      %dma_start3A_400 = tpu.memref_slice %arg2[%add3A_6] : memref<425984xi32, #tpu.memory_space<hbm>> -> memref<512xi32, #tpu.memory_space<hbm>>
      %dma_start3A_401 = arith.constant 512 : i32
      %dma_start3A_402 = tpu.memref_slice %arg5[%dma_start3A_401] : memref<13312xi32, #tpu.memory_space<vmem>> -> memref<512xi32, #tpu.memory_space<vmem>>
      %dma_start3A_403 = tpu.memref_slice %arg2[%add3A_6] : memref<425984xi32, #tpu.memory_space<hbm>> -> memref<512xi32, #tpu.memory_space<hbm>>
      tpu.enqueue_dma source(%dma_start3A_403 : memref<512xi32, #tpu.memory_space<hbm>>) target(%dma_start3A_402 : memref<512xi32, #tpu.memory_space<vmem>>) target_semaphore(%run_scoped3A : memref<!tpu.dma_semaphore, #tpu.memory_space<semaphore_mem>>)
      %dma_wait3A_404 = arith.constant 512 : i32
      %dma_wait3A_405 = tpu.memref_slice %arg5[%dma_wait3A_404] : memref<13312xi32, #tpu.memory_space<vmem>> -> memref<512xi32, #tpu.memory_space<vmem>>
      %dma_wait3A_406 = tpu.memref_slice %arg2[%add3A_6] : memref<425984xi32, #tpu.memory_space<hbm>> -> memref<512xi32, #tpu.memory_space<hbm>>
      %dma_wait3A_407 = arith.constant 512 : i32
      %dma_wait3A_408 = tpu.memref_slice %arg5[%dma_wait3A_407] : memref<13312xi32, #tpu.memory_space<vmem>> -> memref<512xi32, #tpu.memory_space<vmem>>
      %dma_wait3A_409 = tpu.memref_slice %arg2[%add3A_6] : memref<425984xi32, #tpu.memory_space<hbm>> -> memref<512xi32, #tpu.memory_space<hbm>>
      tpu.wait_dma2 semaphore(%run_scoped3A : memref<!tpu.dma_semaphore, #tpu.memory_space<semaphore_mem>>) src(%dma_wait3A_409 : memref<512xi32, #tpu.memory_space<hbm>>) dst(%dma_wait3A_408 : memref<512xi32, #tpu.memory_space<vmem>>)
      tpu.yield
    }) : () -> ()
    %add3A_7 = arith.constant 32768 : i32
    %add3A_8 = arith.addi %add3A_7, %mul3A_2 : i32
    "tpu.region"() ({
      %run_scoped3A = tpu.sem_alloc : memref<!tpu.dma_semaphore, #tpu.memory_space<semaphore_mem>>
      %dma_start3A_398 = arith.constant 1024 : i32
      %dma_start3A_399 = tpu.memref_slice %arg5[%dma_start3A_398] : memref<13312xi32, #tpu.memory_space<vmem>> -> memref<512xi32, #tpu.memory_space<vmem>>
      %dma_start3A_400 = tpu.memref_slice %arg2[%add3A_8] : memref<425984xi32, #tpu.memory_space<hbm>> -> memref<512xi32, #tpu.memory_space<hbm>>
      %dma_start3A_401 = arith.constant 1024 : i32
      %dma_start3A_402 = tpu.memref_slice %arg5[%dma_start3A_401] : memref<13312xi32, #tpu.memory_space<vmem>> -> memref<512xi32, #tpu.memory_space<vmem>>
      %dma_start3A_403 = tpu.memref_slice %arg2[%add3A_8] : memref<425984xi32, #tpu.memory_space<hbm>> -> memref<512xi32, #tpu.memory_space<hbm>>
      tpu.enqueue_dma source(%dma_start3A_403 : memref<512xi32, #tpu.memory_space<hbm>>) target(%dma_start3A_402 : memref<512xi32, #tpu.memory_space<vmem>>) target_semaphore(%run_scoped3A : memref<!tpu.dma_semaphore, #tpu.memory_space<semaphore_mem>>)
      %dma_wait3A_404 = arith.constant 1024 : i32
      %dma_wait3A_405 = tpu.memref_slice %arg5[%dma_wait3A_404] : memref<13312xi32, #tpu.memory_space<vmem>> -> memref<512xi32, #tpu.memory_space<vmem>>
      %dma_wait3A_406 = tpu.memref_slice %arg2[%add3A_8] : memref<425984xi32, #tpu.memory_space<hbm>> -> memref<512xi32, #tpu.memory_space<hbm>>
      %dma_wait3A_407 = arith.constant 1024 : i32
      %dma_wait3A_408 = tpu.memref_slice %arg5[%dma_wait3A_407] : memref<13312xi32, #tpu.memory_space<vmem>> -> memref<512xi32, #tpu.memory_space<vmem>>
      %dma_wait3A_409 = tpu.memref_slice %arg2[%add3A_8] : memref<425984xi32, #tpu.memory_space<hbm>> -> memref<512xi32, #tpu.memory_space<hbm>>
      tpu.wait_dma2 semaphore(%run_scoped3A : memref<!tpu.dma_semaphore, #tpu.memory_space<semaphore_mem>>) src(%dma_wait3A_409 : memref<512xi32, #tpu.memory_space<hbm>>) dst(%dma_wait3A_408 : memref<512xi32, #tpu.memory_space<vmem>>)
      tpu.yield
    }) : () -> ()
    %add3A_9 = arith.constant 49152 : i32
    %add3A_10 = arith.addi %add3A_9, %mul3A_2 : i32
    "tpu.region"() ({
      %run_scoped3A = tpu.sem_alloc : memref<!tpu.dma_semaphore, #tpu.memory_space<semaphore_mem>>
      %dma_start3A_398 = arith.constant 1536 : i32
      %dma_start3A_399 = tpu.memref_slice %arg5[%dma_start3A_398] : memref<13312xi32, #tpu.memory_space<vmem>> -> memref<512xi32, #tpu.memory_space<vmem>>
      %dma_start3A_400 = tpu.memref_slice %arg2[%add3A_10] : memref<425984xi32, #tpu.memory_space<hbm>> -> memref<512xi32, #tpu.memory_space<hbm>>
      %dma_start3A_401 = arith.constant 1536 : i32
      %dma_start3A_402 = tpu.memref_slice %arg5[%dma_start3A_401] : memref<13312xi32, #tpu.memory_space<vmem>> -> memref<512xi32, #tpu.memory_space<vmem>>
      %dma_start3A_403 = tpu.memref_slice %arg2[%add3A_10] : memref<425984xi32, #tpu.memory_space<hbm>> -> memref<512xi32, #tpu.memory_space<hbm>>
      tpu.enqueue_dma source(%dma_start3A_403 : memref<512xi32, #tpu.memory_space<hbm>>) target(%dma_start3A_402 : memref<512xi32, #tpu.memory_space<vmem>>) target_semaphore(%run_scoped3A : memref<!tpu.dma_semaphore, #tpu.memory_space<semaphore_mem>>)
      %dma_wait3A_404 = arith.constant 1536 : i32
      %dma_wait3A_405 = tpu.memref_slice %arg5[%dma_wait3A_404] : memref<13312xi32, #tpu.memory_space<vmem>> -> memref<512xi32, #tpu.memory_space<vmem>>
      %dma_wait3A_406 = tpu.memref_slice %arg2[%add3A_10] : memref<425984xi32, #tpu.memory_space<hbm>> -> memref<512xi32, #tpu.memory_space<hbm>>
      %dma_wait3A_407 = arith.constant 1536 : i32
      %dma_wait3A_408 = tpu.memref_slice %arg5[%dma_wait3A_407] : memref<13312xi32, #tpu.memory_space<vmem>> -> memref<512xi32, #tpu.memory_space<vmem>>
      %dma_wait3A_409 = tpu.memref_slice %arg2[%add3A_10] : memref<425984xi32, #tpu.memory_space<hbm>> -> memref<512xi32, #tpu.memory_space<hbm>>
      tpu.wait_dma2 semaphore(%run_scoped3A : memref<!tpu.dma_semaphore, #tpu.memory_space<semaphore_mem>>) src(%dma_wait3A_409 : memref<512xi32, #tpu.memory_space<hbm>>) dst(%dma_wait3A_408 : memref<512xi32, #tpu.memory_space<vmem>>)
      tpu.yield
    }) : () -> ()
    %add3A_11 = arith.constant 65536 : i32
    %add3A_12 = arith.addi %add3A_11, %mul3A_2 : i32
    "tpu.region"() ({
      %run_scoped3A = tpu.sem_alloc : memref<!tpu.dma_semaphore, #tpu.memory_space<semaphore_mem>>
      %dma_start3A_398 = arith.constant 2048 : i32
      %dma_start3A_399 = tpu.memref_slice %arg5[%dma_start3A_398] : memref<13312xi32, #tpu.memory_space<vmem>> -> memref<512xi32, #tpu.memory_space<vmem>>
      %dma_start3A_400 = tpu.memref_slice %arg2[%add3A_12] : memref<425984xi32, #tpu.memory_space<hbm>> -> memref<512xi32, #tpu.memory_space<hbm>>
      %dma_start3A_401 = arith.constant 2048 : i32
      %dma_start3A_402 = tpu.memref_slice %arg5[%dma_start3A_401] : memref<13312xi32, #tpu.memory_space<vmem>> -> memref<512xi32, #tpu.memory_space<vmem>>
      %dma_start3A_403 = tpu.memref_slice %arg2[%add3A_12] : memref<425984xi32, #tpu.memory_space<hbm>> -> memref<512xi32, #tpu.memory_space<hbm>>
      tpu.enqueue_dma source(%dma_start3A_403 : memref<512xi32, #tpu.memory_space<hbm>>) target(%dma_start3A_402 : memref<512xi32, #tpu.memory_space<vmem>>) target_semaphore(%run_scoped3A : memref<!tpu.dma_semaphore, #tpu.memory_space<semaphore_mem>>)
      %dma_wait3A_404 = arith.constant 2048 : i32
      %dma_wait3A_405 = tpu.memref_slice %arg5[%dma_wait3A_404] : memref<13312xi32, #tpu.memory_space<vmem>> -> memref<512xi32, #tpu.memory_space<vmem>>
      %dma_wait3A_406 = tpu.memref_slice %arg2[%add3A_12] : memref<425984xi32, #tpu.memory_space<hbm>> -> memref<512xi32, #tpu.memory_space<hbm>>
      %dma_wait3A_407 = arith.constant 2048 : i32
      %dma_wait3A_408 = tpu.memref_slice %arg5[%dma_wait3A_407] : memref<13312xi32, #tpu.memory_space<vmem>> -> memref<512xi32, #tpu.memory_space<vmem>>
      %dma_wait3A_409 = tpu.memref_slice %arg2[%add3A_12] : memref<425984xi32, #tpu.memory_space<hbm>> -> memref<512xi32, #tpu.memory_space<hbm>>
      tpu.wait_dma2 semaphore(%run_scoped3A : memref<!tpu.dma_semaphore, #tpu.memory_space<semaphore_mem>>) src(%dma_wait3A_409 : memref<512xi32, #tpu.memory_space<hbm>>) dst(%dma_wait3A_408 : memref<512xi32, #tpu.memory_space<vmem>>)
      tpu.yield
    }) : () -> ()
    %add3A_13 = arith.constant 81920 : i32
    %add3A_14 = arith.addi %add3A_13, %mul3A_2 : i32
    "tpu.region"() ({
      %run_scoped3A = tpu.sem_alloc : memref<!tpu.dma_semaphore, #tpu.memory_space<semaphore_mem>>
      %dma_start3A_398 = arith.constant 2560 : i32
      %dma_start3A_399 = tpu.memref_slice %arg5[%dma_start3A_398] : memref<13312xi32, #tpu.memory_space<vmem>> -> memref<512xi32, #tpu.memory_space<vmem>>
      %dma_start3A_400 = tpu.memref_slice %arg2[%add3A_14] : memref<425984xi32, #tpu.memory_space<hbm>> -> memref<512xi32, #tpu.memory_space<hbm>>
      %dma_start3A_401 = arith.constant 2560 : i32
      %dma_start3A_402 = tpu.memref_slice %arg5[%dma_start3A_401] : memref<13312xi32, #tpu.memory_space<vmem>> -> memref<512xi32, #tpu.memory_space<vmem>>
      %dma_start3A_403 = tpu.memref_slice %arg2[%add3A_14] : memref<425984xi32, #tpu.memory_space<hbm>> -> memref<512xi32, #tpu.memory_space<hbm>>
      tpu.enqueue_dma source(%dma_start3A_403 : memref<512xi32, #tpu.memory_space<hbm>>) target(%dma_start3A_402 : memref<512xi32, #tpu.memory_space<vmem>>) target_semaphore(%run_scoped3A : memref<!tpu.dma_semaphore, #tpu.memory_space<semaphore_mem>>)
      %dma_wait3A_404 = arith.constant 2560 : i32
      %dma_wait3A_405 = tpu.memref_slice %arg5[%dma_wait3A_404] : memref<13312xi32, #tpu.memory_space<vmem>> -> memref<512xi32, #tpu.memory_space<vmem>>
      %dma_wait3A_406 = tpu.memref_slice %arg2[%add3A_14] : memref<425984xi32, #tpu.memory_space<hbm>> -> memref<512xi32, #tpu.memory_space<hbm>>
      %dma_wait3A_407 = arith.constant 2560 : i32
      %dma_wait3A_408 = tpu.memref_slice %arg5[%dma_wait3A_407] : memref<13312xi32, #tpu.memory_space<vmem>> -> memref<512xi32, #tpu.memory_space<vmem>>
      %dma_wait3A_409 = tpu.memref_slice %arg2[%add3A_14] : memref<425984xi32, #tpu.memory_space<hbm>> -> memref<512xi32, #tpu.memory_space<hbm>>
      tpu.wait_dma2 semaphore(%run_scoped3A : memref<!tpu.dma_semaphore, #tpu.memory_space<semaphore_mem>>) src(%dma_wait3A_409 : memref<512xi32, #tpu.memory_space<hbm>>) dst(%dma_wait3A_408 : memref<512xi32, #tpu.memory_space<vmem>>)
      tpu.yield
    }) : () -> ()
    %add3A_15 = arith.constant 98304 : i32
    %add3A_16 = arith.addi %add3A_15, %mul3A_2 : i32
    "tpu.region"() ({
      %run_scoped3A = tpu.sem_alloc : memref<!tpu.dma_semaphore, #tpu.memory_space<semaphore_mem>>
      %dma_start3A_398 = arith.constant 3072 : i32
      %dma_start3A_399 = tpu.memref_slice %arg5[%dma_start3A_398] : memref<13312xi32, #tpu.memory_space<vmem>> -> memref<512xi32, #tpu.memory_space<vmem>>
      %dma_start3A_400 = tpu.memref_slice %arg2[%add3A_16] : memref<425984xi32, #tpu.memory_space<hbm>> -> memref<512xi32, #tpu.memory_space<hbm>>
      %dma_start3A_401 = arith.constant 3072 : i32
      %dma_start3A_402 = tpu.memref_slice %arg5[%dma_start3A_401] : memref<13312xi32, #tpu.memory_space<vmem>> -> memref<512xi32, #tpu.memory_space<vmem>>
      %dma_start3A_403 = tpu.memref_slice %arg2[%add3A_16] : memref<425984xi32, #tpu.memory_space<hbm>> -> memref<512xi32, #tpu.memory_space<hbm>>
      tpu.enqueue_dma source(%dma_start3A_403 : memref<512xi32, #tpu.memory_space<hbm>>) target(%dma_start3A_402 : memref<512xi32, #tpu.memory_space<vmem>>) target_semaphore(%run_scoped3A : memref<!tpu.dma_semaphore, #tpu.memory_space<semaphore_mem>>)
      %dma_wait3A_404 = arith.constant 3072 : i32
      %dma_wait3A_405 = tpu.memref_slice %arg5[%dma_wait3A_404] : memref<13312xi32, #tpu.memory_space<vmem>> -> memref<512xi32, #tpu.memory_space<vmem>>
      %dma_wait3A_406 = tpu.memref_slice %arg2[%add3A_16] : memref<425984xi32, #tpu.memory_space<hbm>> -> memref<512xi32, #tpu.memory_space<hbm>>
      %dma_wait3A_407 = arith.constant 3072 : i32
      %dma_wait3A_408 = tpu.memref_slice %arg5[%dma_wait3A_407] : memref<13312xi32, #tpu.memory_space<vmem>> -> memref<512xi32, #tpu.memory_space<vmem>>
      %dma_wait3A_409 = tpu.memref_slice %arg2[%add3A_16] : memref<425984xi32, #tpu.memory_space<hbm>> -> memref<512xi32, #tpu.memory_space<hbm>>
      tpu.wait_dma2 semaphore(%run_scoped3A : memref<!tpu.dma_semaphore, #tpu.memory_space<semaphore_mem>>) src(%dma_wait3A_409 : memref<512xi32, #tpu.memory_space<hbm>>) dst(%dma_wait3A_408 : memref<512xi32, #tpu.memory_space<vmem>>)
      tpu.yield
    }) : () -> ()
    %add3A_17 = arith.constant 114688 : i32
    %add3A_18 = arith.addi %add3A_17, %mul3A_2 : i32
    "tpu.region"() ({
      %run_scoped3A = tpu.sem_alloc : memref<!tpu.dma_semaphore, #tpu.memory_space<semaphore_mem>>
      %dma_start3A_398 = arith.constant 3584 : i32
      %dma_start3A_399 = tpu.memref_slice %arg5[%dma_start3A_398] : memref<13312xi32, #tpu.memory_space<vmem>> -> memref<512xi32, #tpu.memory_space<vmem>>
      %dma_start3A_400 = tpu.memref_slice %arg2[%add3A_18] : memref<425984xi32, #tpu.memory_space<hbm>> -> memref<512xi32, #tpu.memory_space<hbm>>
      %dma_start3A_401 = arith.constant 3584 : i32
      %dma_start3A_402 = tpu.memref_slice %arg5[%dma_start3A_401] : memref<13312xi32, #tpu.memory_space<vmem>> -> memref<512xi32, #tpu.memory_space<vmem>>
      %dma_start3A_403 = tpu.memref_slice %arg2[%add3A_18] : memref<425984xi32, #tpu.memory_space<hbm>> -> memref<512xi32, #tpu.memory_space<hbm>>
      tpu.enqueue_dma source(%dma_start3A_403 : memref<512xi32, #tpu.memory_space<hbm>>) target(%dma_start3A_402 : memref<512xi32, #tpu.memory_space<vmem>>) target_semaphore(%run_scoped3A : memref<!tpu.dma_semaphore, #tpu.memory_space<semaphore_mem>>)
      %dma_wait3A_404 = arith.constant 3584 : i32
      %dma_wait3A_405 = tpu.memref_slice %arg5[%dma_wait3A_404] : memref<13312xi32, #tpu.memory_space<vmem>> -> memref<512xi32, #tpu.memory_space<vmem>>
      %dma_wait3A_406 = tpu.memref_slice %arg2[%add3A_18] : memref<425984xi32, #tpu.memory_space<hbm>> -> memref<512xi32, #tpu.memory_space<hbm>>
      %dma_wait3A_407 = arith.constant 3584 : i32
      %dma_wait3A_408 = tpu.memref_slice %arg5[%dma_wait3A_407] : memref<13312xi32, #tpu.memory_space<vmem>> -> memref<512xi32, #tpu.memory_space<vmem>>
      %dma_wait3A_409 = tpu.memref_slice %arg2[%add3A_18] : memref<425984xi32, #tpu.memory_space<hbm>> -> memref<512xi32, #tpu.memory_space<hbm>>
      tpu.wait_dma2 semaphore(%run_scoped3A : memref<!tpu.dma_semaphore, #tpu.memory_space<semaphore_mem>>) src(%dma_wait3A_409 : memref<512xi32, #tpu.memory_space<hbm>>) dst(%dma_wait3A_408 : memref<512xi32, #tpu.memory_space<vmem>>)
      tpu.yield
    }) : () -> ()
    %add3A_19 = arith.constant 131072 : i32
    %add3A_20 = arith.addi %add3A_19, %mul3A_2 : i32
    "tpu.region"() ({
      %run_scoped3A = tpu.sem_alloc : memref<!tpu.dma_semaphore, #tpu.memory_space<semaphore_mem>>
      %dma_start3A_398 = arith.constant 4096 : i32
      %dma_start3A_399 = tpu.memref_slice %arg5[%dma_start3A_398] : memref<13312xi32, #tpu.memory_space<vmem>> -> memref<512xi32, #tpu.memory_space<vmem>>
      %dma_start3A_400 = tpu.memref_slice %arg2[%add3A_20] : memref<425984xi32, #tpu.memory_space<hbm>> -> memref<512xi32, #tpu.memory_space<hbm>>
      %dma_start3A_401 = arith.constant 4096 : i32
      %dma_start3A_402 = tpu.memref_slice %arg5[%dma_start3A_401] : memref<13312xi32, #tpu.memory_space<vmem>> -> memref<512xi32, #tpu.memory_space<vmem>>
      %dma_start3A_403 = tpu.memref_slice %arg2[%add3A_20] : memref<425984xi32, #tpu.memory_space<hbm>> -> memref<512xi32, #tpu.memory_space<hbm>>
      tpu.enqueue_dma source(%dma_start3A_403 : memref<512xi32, #tpu.memory_space<hbm>>) target(%dma_start3A_402 : memref<512xi32, #tpu.memory_space<vmem>>) target_semaphore(%run_scoped3A : memref<!tpu.dma_semaphore, #tpu.memory_space<semaphore_mem>>)
      %dma_wait3A_404 = arith.constant 4096 : i32
      %dma_wait3A_405 = tpu.memref_slice %arg5[%dma_wait3A_404] : memref<13312xi32, #tpu.memory_space<vmem>> -> memref<512xi32, #tpu.memory_space<vmem>>
      %dma_wait3A_406 = tpu.memref_slice %arg2[%add3A_20] : memref<425984xi32, #tpu.memory_space<hbm>> -> memref<512xi32, #tpu.memory_space<hbm>>
      %dma_wait3A_407 = arith.constant 4096 : i32
      %dma_wait3A_408 = tpu.memref_slice %arg5[%dma_wait3A_407] : memref<13312xi32, #tpu.memory_space<vmem>> -> memref<512xi32, #tpu.memory_space<vmem>>
      %dma_wait3A_409 = tpu.memref_slice %arg2[%add3A_20] : memref<425984xi32, #tpu.memory_space<hbm>> -> memref<512xi32, #tpu.memory_space<hbm>>
      tpu.wait_dma2 semaphore(%run_scoped3A : memref<!tpu.dma_semaphore, #tpu.memory_space<semaphore_mem>>) src(%dma_wait3A_409 : memref<512xi32, #tpu.memory_space<hbm>>) dst(%dma_wait3A_408 : memref<512xi32, #tpu.memory_space<vmem>>)
      tpu.yield
    }) : () -> ()
    %add3A_21 = arith.constant 147456 : i32
    %add3A_22 = arith.addi %add3A_21, %mul3A_2 : i32
    "tpu.region"() ({
      %run_scoped3A = tpu.sem_alloc : memref<!tpu.dma_semaphore, #tpu.memory_space<semaphore_mem>>
      %dma_start3A_398 = arith.constant 4608 : i32
      %dma_start3A_399 = tpu.memref_slice %arg5[%dma_start3A_398] : memref<13312xi32, #tpu.memory_space<vmem>> -> memref<512xi32, #tpu.memory_space<vmem>>
      %dma_start3A_400 = tpu.memref_slice %arg2[%add3A_22] : memref<425984xi32, #tpu.memory_space<hbm>> -> memref<512xi32, #tpu.memory_space<hbm>>
      %dma_start3A_401 = arith.constant 4608 : i32
      %dma_start3A_402 = tpu.memref_slice %arg5[%dma_start3A_401] : memref<13312xi32, #tpu.memory_space<vmem>> -> memref<512xi32, #tpu.memory_space<vmem>>
      %dma_start3A_403 = tpu.memref_slice %arg2[%add3A_22] : memref<425984xi32, #tpu.memory_space<hbm>> -> memref<512xi32, #tpu.memory_space<hbm>>
      tpu.enqueue_dma source(%dma_start3A_403 : memref<512xi32, #tpu.memory_space<hbm>>) target(%dma_start3A_402 : memref<512xi32, #tpu.memory_space<vmem>>) target_semaphore(%run_scoped3A : memref<!tpu.dma_semaphore, #tpu.memory_space<semaphore_mem>>)
      %dma_wait3A_404 = arith.constant 4608 : i32
      %dma_wait3A_405 = tpu.memref_slice %arg5[%dma_wait3A_404] : memref<13312xi32, #tpu.memory_space<vmem>> -> memref<512xi32, #tpu.memory_space<vmem>>
      %dma_wait3A_406 = tpu.memref_slice %arg2[%add3A_22] : memref<425984xi32, #tpu.memory_space<hbm>> -> memref<512xi32, #tpu.memory_space<hbm>>
      %dma_wait3A_407 = arith.constant 4608 : i32
      %dma_wait3A_408 = tpu.memref_slice %arg5[%dma_wait3A_407] : memref<13312xi32, #tpu.memory_space<vmem>> -> memref<512xi32, #tpu.memory_space<vmem>>
      %dma_wait3A_409 = tpu.memref_slice %arg2[%add3A_22] : memref<425984xi32, #tpu.memory_space<hbm>> -> memref<512xi32, #tpu.memory_space<hbm>>
      tpu.wait_dma2 semaphore(%run_scoped3A : memref<!tpu.dma_semaphore, #tpu.memory_space<semaphore_mem>>) src(%dma_wait3A_409 : memref<512xi32, #tpu.memory_space<hbm>>) dst(%dma_wait3A_408 : memref<512xi32, #tpu.memory_space<vmem>>)
      tpu.yield
    }) : () -> ()
    %add3A_23 = arith.constant 163840 : i32
    %add3A_24 = arith.addi %add3A_23, %mul3A_2 : i32
    "tpu.region"() ({
      %run_scoped3A = tpu.sem_alloc : memref<!tpu.dma_semaphore, #tpu.memory_space<semaphore_mem>>
      %dma_start3A_398 = arith.constant 5120 : i32
      %dma_start3A_399 = tpu.memref_slice %arg5[%dma_start3A_398] : memref<13312xi32, #tpu.memory_space<vmem>> -> memref<512xi32, #tpu.memory_space<vmem>>
      %dma_start3A_400 = tpu.memref_slice %arg2[%add3A_24] : memref<425984xi32, #tpu.memory_space<hbm>> -> memref<512xi32, #tpu.memory_space<hbm>>
      %dma_start3A_401 = arith.constant 5120 : i32
      %dma_start3A_402 = tpu.memref_slice %arg5[%dma_start3A_401] : memref<13312xi32, #tpu.memory_space<vmem>> -> memref<512xi32, #tpu.memory_space<vmem>>
      %dma_start3A_403 = tpu.memref_slice %arg2[%add3A_24] : memref<425984xi32, #tpu.memory_space<hbm>> -> memref<512xi32, #tpu.memory_space<hbm>>
      tpu.enqueue_dma source(%dma_start3A_403 : memref<512xi32, #tpu.memory_space<hbm>>) target(%dma_start3A_402 : memref<512xi32, #tpu.memory_space<vmem>>) target_semaphore(%run_scoped3A : memref<!tpu.dma_semaphore, #tpu.memory_space<semaphore_mem>>)
      %dma_wait3A_404 = arith.constant 5120 : i32
      %dma_wait3A_405 = tpu.memref_slice %arg5[%dma_wait3A_404] : memref<13312xi32, #tpu.memory_space<vmem>> -> memref<512xi32, #tpu.memory_space<vmem>>
      %dma_wait3A_406 = tpu.memref_slice %arg2[%add3A_24] : memref<425984xi32, #tpu.memory_space<hbm>> -> memref<512xi32, #tpu.memory_space<hbm>>
      %dma_wait3A_407 = arith.constant 5120 : i32
      %dma_wait3A_408 = tpu.memref_slice %arg5[%dma_wait3A_407] : memref<13312xi32, #tpu.memory_space<vmem>> -> memref<512xi32, #tpu.memory_space<vmem>>
      %dma_wait3A_409 = tpu.memref_slice %arg2[%add3A_24] : memref<425984xi32, #tpu.memory_space<hbm>> -> memref<512xi32, #tpu.memory_space<hbm>>
      tpu.wait_dma2 semaphore(%run_scoped3A : memref<!tpu.dma_semaphore, #tpu.memory_space<semaphore_mem>>) src(%dma_wait3A_409 : memref<512xi32, #tpu.memory_space<hbm>>) dst(%dma_wait3A_408 : memref<512xi32, #tpu.memory_space<vmem>>)
      tpu.yield
    }) : () -> ()
    %add3A_25 = arith.constant 180224 : i32
    %add3A_26 = arith.addi %add3A_25, %mul3A_2 : i32
    "tpu.region"() ({
      %run_scoped3A = tpu.sem_alloc : memref<!tpu.dma_semaphore, #tpu.memory_space<semaphore_mem>>
      %dma_start3A_398 = arith.constant 5632 : i32
      %dma_start3A_399 = tpu.memref_slice %arg5[%dma_start3A_398] : memref<13312xi32, #tpu.memory_space<vmem>> -> memref<512xi32, #tpu.memory_space<vmem>>
      %dma_start3A_400 = tpu.memref_slice %arg2[%add3A_26] : memref<425984xi32, #tpu.memory_space<hbm>> -> memref<512xi32, #tpu.memory_space<hbm>>
      %dma_start3A_401 = arith.constant 5632 : i32
      %dma_start3A_402 = tpu.memref_slice %arg5[%dma_start3A_401] : memref<13312xi32, #tpu.memory_space<vmem>> -> memref<512xi32, #tpu.memory_space<vmem>>
      %dma_start3A_403 = tpu.memref_slice %arg2[%add3A_26] : memref<425984xi32, #tpu.memory_space<hbm>> -> memref<512xi32, #tpu.memory_space<hbm>>
      tpu.enqueue_dma source(%dma_start3A_403 : memref<512xi32, #tpu.memory_space<hbm>>) target(%dma_start3A_402 : memref<512xi32, #tpu.memory_space<vmem>>) target_semaphore(%run_scoped3A : memref<!tpu.dma_semaphore, #tpu.memory_space<semaphore_mem>>)
      %dma_wait3A_404 = arith.constant 5632 : i32
      %dma_wait3A_405 = tpu.memref_slice %arg5[%dma_wait3A_404] : memref<13312xi32, #tpu.memory_space<vmem>> -> memref<512xi32, #tpu.memory_space<vmem>>
      %dma_wait3A_406 = tpu.memref_slice %arg2[%add3A_26] : memref<425984xi32, #tpu.memory_space<hbm>> -> memref<512xi32, #tpu.memory_space<hbm>>
      %dma_wait3A_407 = arith.constant 5632 : i32
      %dma_wait3A_408 = tpu.memref_slice %arg5[%dma_wait3A_407] : memref<13312xi32, #tpu.memory_space<vmem>> -> memref<512xi32, #tpu.memory_space<vmem>>
      %dma_wait3A_409 = tpu.memref_slice %arg2[%add3A_26] : memref<425984xi32, #tpu.memory_space<hbm>> -> memref<512xi32, #tpu.memory_space<hbm>>
      tpu.wait_dma2 semaphore(%run_scoped3A : memref<!tpu.dma_semaphore, #tpu.memory_space<semaphore_mem>>) src(%dma_wait3A_409 : memref<512xi32, #tpu.memory_space<hbm>>) dst(%dma_wait3A_408 : memref<512xi32, #tpu.memory_space<vmem>>)
      tpu.yield
    }) : () -> ()
    %add3A_27 = arith.constant 196608 : i32
    %add3A_28 = arith.addi %add3A_27, %mul3A_2 : i32
    "tpu.region"() ({
      %run_scoped3A = tpu.sem_alloc : memref<!tpu.dma_semaphore, #tpu.memory_space<semaphore_mem>>
      %dma_start3A_398 = arith.constant 6144 : i32
      %dma_start3A_399 = tpu.memref_slice %arg5[%dma_start3A_398] : memref<13312xi32, #tpu.memory_space<vmem>> -> memref<512xi32, #tpu.memory_space<vmem>>
      %dma_start3A_400 = tpu.memref_slice %arg2[%add3A_28] : memref<425984xi32, #tpu.memory_space<hbm>> -> memref<512xi32, #tpu.memory_space<hbm>>
      %dma_start3A_401 = arith.constant 6144 : i32
      %dma_start3A_402 = tpu.memref_slice %arg5[%dma_start3A_401] : memref<13312xi32, #tpu.memory_space<vmem>> -> memref<512xi32, #tpu.memory_space<vmem>>
      %dma_start3A_403 = tpu.memref_slice %arg2[%add3A_28] : memref<425984xi32, #tpu.memory_space<hbm>> -> memref<512xi32, #tpu.memory_space<hbm>>
      tpu.enqueue_dma source(%dma_start3A_403 : memref<512xi32, #tpu.memory_space<hbm>>) target(%dma_start3A_402 : memref<512xi32, #tpu.memory_space<vmem>>) target_semaphore(%run_scoped3A : memref<!tpu.dma_semaphore, #tpu.memory_space<semaphore_mem>>)
      %dma_wait3A_404 = arith.constant 6144 : i32
      %dma_wait3A_405 = tpu.memref_slice %arg5[%dma_wait3A_404] : memref<13312xi32, #tpu.memory_space<vmem>> -> memref<512xi32, #tpu.memory_space<vmem>>
      %dma_wait3A_406 = tpu.memref_slice %arg2[%add3A_28] : memref<425984xi32, #tpu.memory_space<hbm>> -> memref<512xi32, #tpu.memory_space<hbm>>
      %dma_wait3A_407 = arith.constant 6144 : i32
      %dma_wait3A_408 = tpu.memref_slice %arg5[%dma_wait3A_407] : memref<13312xi32, #tpu.memory_space<vmem>> -> memref<512xi32, #tpu.memory_space<vmem>>
      %dma_wait3A_409 = tpu.memref_slice %arg2[%add3A_28] : memref<425984xi32, #tpu.memory_space<hbm>> -> memref<512xi32, #tpu.memory_space<hbm>>
      tpu.wait_dma2 semaphore(%run_scoped3A : memref<!tpu.dma_semaphore, #tpu.memory_space<semaphore_mem>>) src(%dma_wait3A_409 : memref<512xi32, #tpu.memory_space<hbm>>) dst(%dma_wait3A_408 : memref<512xi32, #tpu.memory_space<vmem>>)
      tpu.yield
    }) : () -> ()
    %add3A_29 = arith.constant 212992 : i32
    %add3A_30 = arith.addi %add3A_29, %mul3A_2 : i32
    "tpu.region"() ({
      %run_scoped3A = tpu.sem_alloc : memref<!tpu.dma_semaphore, #tpu.memory_space<semaphore_mem>>
      %dma_start3A_398 = arith.constant 6656 : i32
      %dma_start3A_399 = tpu.memref_slice %arg5[%dma_start3A_398] : memref<13312xi32, #tpu.memory_space<vmem>> -> memref<512xi32, #tpu.memory_space<vmem>>
      %dma_start3A_400 = tpu.memref_slice %arg2[%add3A_30] : memref<425984xi32, #tpu.memory_space<hbm>> -> memref<512xi32, #tpu.memory_space<hbm>>
      %dma_start3A_401 = arith.constant 6656 : i32
      %dma_start3A_402 = tpu.memref_slice %arg5[%dma_start3A_401] : memref<13312xi32, #tpu.memory_space<vmem>> -> memref<512xi32, #tpu.memory_space<vmem>>
      %dma_start3A_403 = tpu.memref_slice %arg2[%add3A_30] : memref<425984xi32, #tpu.memory_space<hbm>> -> memref<512xi32, #tpu.memory_space<hbm>>
      tpu.enqueue_dma source(%dma_start3A_403 : memref<512xi32, #tpu.memory_space<hbm>>) target(%dma_start3A_402 : memref<512xi32, #tpu.memory_space<vmem>>) target_semaphore(%run_scoped3A : memref<!tpu.dma_semaphore, #tpu.memory_space<semaphore_mem>>)
      %dma_wait3A_404 = arith.constant 6656 : i32
      %dma_wait3A_405 = tpu.memref_slice %arg5[%dma_wait3A_404] : memref<13312xi32, #tpu.memory_space<vmem>> -> memref<512xi32, #tpu.memory_space<vmem>>
      %dma_wait3A_406 = tpu.memref_slice %arg2[%add3A_30] : memref<425984xi32, #tpu.memory_space<hbm>> -> memref<512xi32, #tpu.memory_space<hbm>>
      %dma_wait3A_407 = arith.constant 6656 : i32
      %dma_wait3A_408 = tpu.memref_slice %arg5[%dma_wait3A_407] : memref<13312xi32, #tpu.memory_space<vmem>> -> memref<512xi32, #tpu.memory_space<vmem>>
      %dma_wait3A_409 = tpu.memref_slice %arg2[%add3A_30] : memref<425984xi32, #tpu.memory_space<hbm>> -> memref<512xi32, #tpu.memory_space<hbm>>
      tpu.wait_dma2 semaphore(%run_scoped3A : memref<!tpu.dma_semaphore, #tpu.memory_space<semaphore_mem>>) src(%dma_wait3A_409 : memref<512xi32, #tpu.memory_space<hbm>>) dst(%dma_wait3A_408 : memref<512xi32, #tpu.memory_space<vmem>>)
      tpu.yield
    }) : () -> ()
    %add3A_31 = arith.constant 229376 : i32
    %add3A_32 = arith.addi %add3A_31, %mul3A_2 : i32
    "tpu.region"() ({
      %run_scoped3A = tpu.sem_alloc : memref<!tpu.dma_semaphore, #tpu.memory_space<semaphore_mem>>
      %dma_start3A_398 = arith.constant 7168 : i32
      %dma_start3A_399 = tpu.memref_slice %arg5[%dma_start3A_398] : memref<13312xi32, #tpu.memory_space<vmem>> -> memref<512xi32, #tpu.memory_space<vmem>>
      %dma_start3A_400 = tpu.memref_slice %arg2[%add3A_32] : memref<425984xi32, #tpu.memory_space<hbm>> -> memref<512xi32, #tpu.memory_space<hbm>>
      %dma_start3A_401 = arith.constant 7168 : i32
      %dma_start3A_402 = tpu.memref_slice %arg5[%dma_start3A_401] : memref<13312xi32, #tpu.memory_space<vmem>> -> memref<512xi32, #tpu.memory_space<vmem>>
      %dma_start3A_403 = tpu.memref_slice %arg2[%add3A_32] : memref<425984xi32, #tpu.memory_space<hbm>> -> memref<512xi32, #tpu.memory_space<hbm>>
      tpu.enqueue_dma source(%dma_start3A_403 : memref<512xi32, #tpu.memory_space<hbm>>) target(%dma_start3A_402 : memref<512xi32, #tpu.memory_space<vmem>>) target_semaphore(%run_scoped3A : memref<!tpu.dma_semaphore, #tpu.memory_space<semaphore_mem>>)
      %dma_wait3A_404 = arith.constant 7168 : i32
      %dma_wait3A_405 = tpu.memref_slice %arg5[%dma_wait3A_404] : memref<13312xi32, #tpu.memory_space<vmem>> -> memref<512xi32, #tpu.memory_space<vmem>>
      %dma_wait3A_406 = tpu.memref_slice %arg2[%add3A_32] : memref<425984xi32, #tpu.memory_space<hbm>> -> memref<512xi32, #tpu.memory_space<hbm>>
      %dma_wait3A_407 = arith.constant 7168 : i32
      %dma_wait3A_408 = tpu.memref_slice %arg5[%dma_wait3A_407] : memref<13312xi32, #tpu.memory_space<vmem>> -> memref<512xi32, #tpu.memory_space<vmem>>
      %dma_wait3A_409 = tpu.memref_slice %arg2[%add3A_32] : memref<425984xi32, #tpu.memory_space<hbm>> -> memref<512xi32, #tpu.memory_space<hbm>>
      tpu.wait_dma2 semaphore(%run_scoped3A : memref<!tpu.dma_semaphore, #tpu.memory_space<semaphore_mem>>) src(%dma_wait3A_409 : memref<512xi32, #tpu.memory_space<hbm>>) dst(%dma_wait3A_408 : memref<512xi32, #tpu.memory_space<vmem>>)
      tpu.yield
    }) : () -> ()
    %add3A_33 = arith.constant 245760 : i32
    %add3A_34 = arith.addi %add3A_33, %mul3A_2 : i32
    "tpu.region"() ({
      %run_scoped3A = tpu.sem_alloc : memref<!tpu.dma_semaphore, #tpu.memory_space<semaphore_mem>>
      %dma_start3A_398 = arith.constant 7680 : i32
      %dma_start3A_399 = tpu.memref_slice %arg5[%dma_start3A_398] : memref<13312xi32, #tpu.memory_space<vmem>> -> memref<512xi32, #tpu.memory_space<vmem>>
      %dma_start3A_400 = tpu.memref_slice %arg2[%add3A_34] : memref<425984xi32, #tpu.memory_space<hbm>> -> memref<512xi32, #tpu.memory_space<hbm>>
      %dma_start3A_401 = arith.constant 7680 : i32
      %dma_start3A_402 = tpu.memref_slice %arg5[%dma_start3A_401] : memref<13312xi32, #tpu.memory_space<vmem>> -> memref<512xi32, #tpu.memory_space<vmem>>
      %dma_start3A_403 = tpu.memref_slice %arg2[%add3A_34] : memref<425984xi32, #tpu.memory_space<hbm>> -> memref<512xi32, #tpu.memory_space<hbm>>
      tpu.enqueue_dma source(%dma_start3A_403 : memref<512xi32, #tpu.memory_space<hbm>>) target(%dma_start3A_402 : memref<512xi32, #tpu.memory_space<vmem>>) target_semaphore(%run_scoped3A : memref<!tpu.dma_semaphore, #tpu.memory_space<semaphore_mem>>)
      %dma_wait3A_404 = arith.constant 7680 : i32
      %dma_wait3A_405 = tpu.memref_slice %arg5[%dma_wait3A_404] : memref<13312xi32, #tpu.memory_space<vmem>> -> memref<512xi32, #tpu.memory_space<vmem>>
      %dma_wait3A_406 = tpu.memref_slice %arg2[%add3A_34] : memref<425984xi32, #tpu.memory_space<hbm>> -> memref<512xi32, #tpu.memory_space<hbm>>
      %dma_wait3A_407 = arith.constant 7680 : i32
      %dma_wait3A_408 = tpu.memref_slice %arg5[%dma_wait3A_407] : memref<13312xi32, #tpu.memory_space<vmem>> -> memref<512xi32, #tpu.memory_space<vmem>>
      %dma_wait3A_409 = tpu.memref_slice %arg2[%add3A_34] : memref<425984xi32, #tpu.memory_space<hbm>> -> memref<512xi32, #tpu.memory_space<hbm>>
      tpu.wait_dma2 semaphore(%run_scoped3A : memref<!tpu.dma_semaphore, #tpu.memory_space<semaphore_mem>>) src(%dma_wait3A_409 : memref<512xi32, #tpu.memory_space<hbm>>) dst(%dma_wait3A_408 : memref<512xi32, #tpu.memory_space<vmem>>)
      tpu.yield
    }) : () -> ()
    %add3A_35 = arith.constant 262144 : i32
    %add3A_36 = arith.addi %add3A_35, %mul3A_2 : i32
    "tpu.region"() ({
      %run_scoped3A = tpu.sem_alloc : memref<!tpu.dma_semaphore, #tpu.memory_space<semaphore_mem>>
      %dma_start3A_398 = arith.constant 8192 : i32
      %dma_start3A_399 = tpu.memref_slice %arg5[%dma_start3A_398] : memref<13312xi32, #tpu.memory_space<vmem>> -> memref<512xi32, #tpu.memory_space<vmem>>
      %dma_start3A_400 = tpu.memref_slice %arg2[%add3A_36] : memref<425984xi32, #tpu.memory_space<hbm>> -> memref<512xi32, #tpu.memory_space<hbm>>
      %dma_start3A_401 = arith.constant 8192 : i32
      %dma_start3A_402 = tpu.memref_slice %arg5[%dma_start3A_401] : memref<13312xi32, #tpu.memory_space<vmem>> -> memref<512xi32, #tpu.memory_space<vmem>>
      %dma_start3A_403 = tpu.memref_slice %arg2[%add3A_36] : memref<425984xi32, #tpu.memory_space<hbm>> -> memref<512xi32, #tpu.memory_space<hbm>>
      tpu.enqueue_dma source(%dma_start3A_403 : memref<512xi32, #tpu.memory_space<hbm>>) target(%dma_start3A_402 : memref<512xi32, #tpu.memory_space<vmem>>) target_semaphore(%run_scoped3A : memref<!tpu.dma_semaphore, #tpu.memory_space<semaphore_mem>>)
      %dma_wait3A_404 = arith.constant 8192 : i32
      %dma_wait3A_405 = tpu.memref_slice %arg5[%dma_wait3A_404] : memref<13312xi32, #tpu.memory_space<vmem>> -> memref<512xi32, #tpu.memory_space<vmem>>
      %dma_wait3A_406 = tpu.memref_slice %arg2[%add3A_36] : memref<425984xi32, #tpu.memory_space<hbm>> -> memref<512xi32, #tpu.memory_space<hbm>>
      %dma_wait3A_407 = arith.constant 8192 : i32
      %dma_wait3A_408 = tpu.memref_slice %arg5[%dma_wait3A_407] : memref<13312xi32, #tpu.memory_space<vmem>> -> memref<512xi32, #tpu.memory_space<vmem>>
      %dma_wait3A_409 = tpu.memref_slice %arg2[%add3A_36] : memref<425984xi32, #tpu.memory_space<hbm>> -> memref<512xi32, #tpu.memory_space<hbm>>
      tpu.wait_dma2 semaphore(%run_scoped3A : memref<!tpu.dma_semaphore, #tpu.memory_space<semaphore_mem>>) src(%dma_wait3A_409 : memref<512xi32, #tpu.memory_space<hbm>>) dst(%dma_wait3A_408 : memref<512xi32, #tpu.memory_space<vmem>>)
      tpu.yield
    }) : () -> ()
    %add3A_37 = arith.constant 278528 : i32
    %add3A_38 = arith.addi %add3A_37, %mul3A_2 : i32
    "tpu.region"() ({
      %run_scoped3A = tpu.sem_alloc : memref<!tpu.dma_semaphore, #tpu.memory_space<semaphore_mem>>
      %dma_start3A_398 = arith.constant 8704 : i32
      %dma_start3A_399 = tpu.memref_slice %arg5[%dma_start3A_398] : memref<13312xi32, #tpu.memory_space<vmem>> -> memref<512xi32, #tpu.memory_space<vmem>>
      %dma_start3A_400 = tpu.memref_slice %arg2[%add3A_38] : memref<425984xi32, #tpu.memory_space<hbm>> -> memref<512xi32, #tpu.memory_space<hbm>>
      %dma_start3A_401 = arith.constant 8704 : i32
      %dma_start3A_402 = tpu.memref_slice %arg5[%dma_start3A_401] : memref<13312xi32, #tpu.memory_space<vmem>> -> memref<512xi32, #tpu.memory_space<vmem>>
      %dma_start3A_403 = tpu.memref_slice %arg2[%add3A_38] : memref<425984xi32, #tpu.memory_space<hbm>> -> memref<512xi32, #tpu.memory_space<hbm>>
      tpu.enqueue_dma source(%dma_start3A_403 : memref<512xi32, #tpu.memory_space<hbm>>) target(%dma_start3A_402 : memref<512xi32, #tpu.memory_space<vmem>>) target_semaphore(%run_scoped3A : memref<!tpu.dma_semaphore, #tpu.memory_space<semaphore_mem>>)
      %dma_wait3A_404 = arith.constant 8704 : i32
      %dma_wait3A_405 = tpu.memref_slice %arg5[%dma_wait3A_404] : memref<13312xi32, #tpu.memory_space<vmem>> -> memref<512xi32, #tpu.memory_space<vmem>>
      %dma_wait3A_406 = tpu.memref_slice %arg2[%add3A_38] : memref<425984xi32, #tpu.memory_space<hbm>> -> memref<512xi32, #tpu.memory_space<hbm>>
      %dma_wait3A_407 = arith.constant 8704 : i32
      %dma_wait3A_408 = tpu.memref_slice %arg5[%dma_wait3A_407] : memref<13312xi32, #tpu.memory_space<vmem>> -> memref<512xi32, #tpu.memory_space<vmem>>
      %dma_wait3A_409 = tpu.memref_slice %arg2[%add3A_38] : memref<425984xi32, #tpu.memory_space<hbm>> -> memref<512xi32, #tpu.memory_space<hbm>>
      tpu.wait_dma2 semaphore(%run_scoped3A : memref<!tpu.dma_semaphore, #tpu.memory_space<semaphore_mem>>) src(%dma_wait3A_409 : memref<512xi32, #tpu.memory_space<hbm>>) dst(%dma_wait3A_408 : memref<512xi32, #tpu.memory_space<vmem>>)
      tpu.yield
    }) : () -> ()
    %add3A_39 = arith.constant 294912 : i32
    %add3A_40 = arith.addi %add3A_39, %mul3A_2 : i32
    "tpu.region"() ({
      %run_scoped3A = tpu.sem_alloc : memref<!tpu.dma_semaphore, #tpu.memory_space<semaphore_mem>>
      %dma_start3A_398 = arith.constant 9216 : i32
      %dma_start3A_399 = tpu.memref_slice %arg5[%dma_start3A_398] : memref<13312xi32, #tpu.memory_space<vmem>> -> memref<512xi32, #tpu.memory_space<vmem>>
      %dma_start3A_400 = tpu.memref_slice %arg2[%add3A_40] : memref<425984xi32, #tpu.memory_space<hbm>> -> memref<512xi32, #tpu.memory_space<hbm>>
      %dma_start3A_401 = arith.constant 9216 : i32
      %dma_start3A_402 = tpu.memref_slice %arg5[%dma_start3A_401] : memref<13312xi32, #tpu.memory_space<vmem>> -> memref<512xi32, #tpu.memory_space<vmem>>
      %dma_start3A_403 = tpu.memref_slice %arg2[%add3A_40] : memref<425984xi32, #tpu.memory_space<hbm>> -> memref<512xi32, #tpu.memory_space<hbm>>
      tpu.enqueue_dma source(%dma_start3A_403 : memref<512xi32, #tpu.memory_space<hbm>>) target(%dma_start3A_402 : memref<512xi32, #tpu.memory_space<vmem>>) target_semaphore(%run_scoped3A : memref<!tpu.dma_semaphore, #tpu.memory_space<semaphore_mem>>)
      %dma_wait3A_404 = arith.constant 9216 : i32
      %dma_wait3A_405 = tpu.memref_slice %arg5[%dma_wait3A_404] : memref<13312xi32, #tpu.memory_space<vmem>> -> memref<512xi32, #tpu.memory_space<vmem>>
      %dma_wait3A_406 = tpu.memref_slice %arg2[%add3A_40] : memref<425984xi32, #tpu.memory_space<hbm>> -> memref<512xi32, #tpu.memory_space<hbm>>
      %dma_wait3A_407 = arith.constant 9216 : i32
      %dma_wait3A_408 = tpu.memref_slice %arg5[%dma_wait3A_407] : memref<13312xi32, #tpu.memory_space<vmem>> -> memref<512xi32, #tpu.memory_space<vmem>>
      %dma_wait3A_409 = tpu.memref_slice %arg2[%add3A_40] : memref<425984xi32, #tpu.memory_space<hbm>> -> memref<512xi32, #tpu.memory_space<hbm>>
      tpu.wait_dma2 semaphore(%run_scoped3A : memref<!tpu.dma_semaphore, #tpu.memory_space<semaphore_mem>>) src(%dma_wait3A_409 : memref<512xi32, #tpu.memory_space<hbm>>) dst(%dma_wait3A_408 : memref<512xi32, #tpu.memory_space<vmem>>)
      tpu.yield
    }) : () -> ()
    %add3A_41 = arith.constant 311296 : i32
    %add3A_42 = arith.addi %add3A_41, %mul3A_2 : i32
    "tpu.region"() ({
      %run_scoped3A = tpu.sem_alloc : memref<!tpu.dma_semaphore, #tpu.memory_space<semaphore_mem>>
      %dma_start3A_398 = arith.constant 9728 : i32
      %dma_start3A_399 = tpu.memref_slice %arg5[%dma_start3A_398] : memref<13312xi32, #tpu.memory_space<vmem>> -> memref<512xi32, #tpu.memory_space<vmem>>
      %dma_start3A_400 = tpu.memref_slice %arg2[%add3A_42] : memref<425984xi32, #tpu.memory_space<hbm>> -> memref<512xi32, #tpu.memory_space<hbm>>
      %dma_start3A_401 = arith.constant 9728 : i32
      %dma_start3A_402 = tpu.memref_slice %arg5[%dma_start3A_401] : memref<13312xi32, #tpu.memory_space<vmem>> -> memref<512xi32, #tpu.memory_space<vmem>>
      %dma_start3A_403 = tpu.memref_slice %arg2[%add3A_42] : memref<425984xi32, #tpu.memory_space<hbm>> -> memref<512xi32, #tpu.memory_space<hbm>>
      tpu.enqueue_dma source(%dma_start3A_403 : memref<512xi32, #tpu.memory_space<hbm>>) target(%dma_start3A_402 : memref<512xi32, #tpu.memory_space<vmem>>) target_semaphore(%run_scoped3A : memref<!tpu.dma_semaphore, #tpu.memory_space<semaphore_mem>>)
      %dma_wait3A_404 = arith.constant 9728 : i32
      %dma_wait3A_405 = tpu.memref_slice %arg5[%dma_wait3A_404] : memref<13312xi32, #tpu.memory_space<vmem>> -> memref<512xi32, #tpu.memory_space<vmem>>
      %dma_wait3A_406 = tpu.memref_slice %arg2[%add3A_42] : memref<425984xi32, #tpu.memory_space<hbm>> -> memref<512xi32, #tpu.memory_space<hbm>>
      %dma_wait3A_407 = arith.constant 9728 : i32
      %dma_wait3A_408 = tpu.memref_slice %arg5[%dma_wait3A_407] : memref<13312xi32, #tpu.memory_space<vmem>> -> memref<512xi32, #tpu.memory_space<vmem>>
      %dma_wait3A_409 = tpu.memref_slice %arg2[%add3A_42] : memref<425984xi32, #tpu.memory_space<hbm>> -> memref<512xi32, #tpu.memory_space<hbm>>
      tpu.wait_dma2 semaphore(%run_scoped3A : memref<!tpu.dma_semaphore, #tpu.memory_space<semaphore_mem>>) src(%dma_wait3A_409 : memref<512xi32, #tpu.memory_space<hbm>>) dst(%dma_wait3A_408 : memref<512xi32, #tpu.memory_space<vmem>>)
      tpu.yield
    }) : () -> ()
    %add3A_43 = arith.constant 327680 : i32
    %add3A_44 = arith.addi %add3A_43, %mul3A_2 : i32
    "tpu.region"() ({
      %run_scoped3A = tpu.sem_alloc : memref<!tpu.dma_semaphore, #tpu.memory_space<semaphore_mem>>
      %dma_start3A_398 = arith.constant 10240 : i32
      %dma_start3A_399 = tpu.memref_slice %arg5[%dma_start3A_398] : memref<13312xi32, #tpu.memory_space<vmem>> -> memref<512xi32, #tpu.memory_space<vmem>>
      %dma_start3A_400 = tpu.memref_slice %arg2[%add3A_44] : memref<425984xi32, #tpu.memory_space<hbm>> -> memref<512xi32, #tpu.memory_space<hbm>>
      %dma_start3A_401 = arith.constant 10240 : i32
      %dma_start3A_402 = tpu.memref_slice %arg5[%dma_start3A_401] : memref<13312xi32, #tpu.memory_space<vmem>> -> memref<512xi32, #tpu.memory_space<vmem>>
      %dma_start3A_403 = tpu.memref_slice %arg2[%add3A_44] : memref<425984xi32, #tpu.memory_space<hbm>> -> memref<512xi32, #tpu.memory_space<hbm>>
      tpu.enqueue_dma source(%dma_start3A_403 : memref<512xi32, #tpu.memory_space<hbm>>) target(%dma_start3A_402 : memref<512xi32, #tpu.memory_space<vmem>>) target_semaphore(%run_scoped3A : memref<!tpu.dma_semaphore, #tpu.memory_space<semaphore_mem>>)
      %dma_wait3A_404 = arith.constant 10240 : i32
      %dma_wait3A_405 = tpu.memref_slice %arg5[%dma_wait3A_404] : memref<13312xi32, #tpu.memory_space<vmem>> -> memref<512xi32, #tpu.memory_space<vmem>>
      %dma_wait3A_406 = tpu.memref_slice %arg2[%add3A_44] : memref<425984xi32, #tpu.memory_space<hbm>> -> memref<512xi32, #tpu.memory_space<hbm>>
      %dma_wait3A_407 = arith.constant 10240 : i32
      %dma_wait3A_408 = tpu.memref_slice %arg5[%dma_wait3A_407] : memref<13312xi32, #tpu.memory_space<vmem>> -> memref<512xi32, #tpu.memory_space<vmem>>
      %dma_wait3A_409 = tpu.memref_slice %arg2[%add3A_44] : memref<425984xi32, #tpu.memory_space<hbm>> -> memref<512xi32, #tpu.memory_space<hbm>>
      tpu.wait_dma2 semaphore(%run_scoped3A : memref<!tpu.dma_semaphore, #tpu.memory_space<semaphore_mem>>) src(%dma_wait3A_409 : memref<512xi32, #tpu.memory_space<hbm>>) dst(%dma_wait3A_408 : memref<512xi32, #tpu.memory_space<vmem>>)
      tpu.yield
    }) : () -> ()
    %add3A_45 = arith.constant 344064 : i32
    %add3A_46 = arith.addi %add3A_45, %mul3A_2 : i32
    "tpu.region"() ({
      %run_scoped3A = tpu.sem_alloc : memref<!tpu.dma_semaphore, #tpu.memory_space<semaphore_mem>>
      %dma_start3A_398 = arith.constant 10752 : i32
      %dma_start3A_399 = tpu.memref_slice %arg5[%dma_start3A_398] : memref<13312xi32, #tpu.memory_space<vmem>> -> memref<512xi32, #tpu.memory_space<vmem>>
      %dma_start3A_400 = tpu.memref_slice %arg2[%add3A_46] : memref<425984xi32, #tpu.memory_space<hbm>> -> memref<512xi32, #tpu.memory_space<hbm>>
      %dma_start3A_401 = arith.constant 10752 : i32
      %dma_start3A_402 = tpu.memref_slice %arg5[%dma_start3A_401] : memref<13312xi32, #tpu.memory_space<vmem>> -> memref<512xi32, #tpu.memory_space<vmem>>
      %dma_start3A_403 = tpu.memref_slice %arg2[%add3A_46] : memref<425984xi32, #tpu.memory_space<hbm>> -> memref<512xi32, #tpu.memory_space<hbm>>
      tpu.enqueue_dma source(%dma_start3A_403 : memref<512xi32, #tpu.memory_space<hbm>>) target(%dma_start3A_402 : memref<512xi32, #tpu.memory_space<vmem>>) target_semaphore(%run_scoped3A : memref<!tpu.dma_semaphore, #tpu.memory_space<semaphore_mem>>)
      %dma_wait3A_404 = arith.constant 10752 : i32
      %dma_wait3A_405 = tpu.memref_slice %arg5[%dma_wait3A_404] : memref<13312xi32, #tpu.memory_space<vmem>> -> memref<512xi32, #tpu.memory_space<vmem>>
      %dma_wait3A_406 = tpu.memref_slice %arg2[%add3A_46] : memref<425984xi32, #tpu.memory_space<hbm>> -> memref<512xi32, #tpu.memory_space<hbm>>
      %dma_wait3A_407 = arith.constant 10752 : i32
      %dma_wait3A_408 = tpu.memref_slice %arg5[%dma_wait3A_407] : memref<13312xi32, #tpu.memory_space<vmem>> -> memref<512xi32, #tpu.memory_space<vmem>>
      %dma_wait3A_409 = tpu.memref_slice %arg2[%add3A_46] : memref<425984xi32, #tpu.memory_space<hbm>> -> memref<512xi32, #tpu.memory_space<hbm>>
      tpu.wait_dma2 semaphore(%run_scoped3A : memref<!tpu.dma_semaphore, #tpu.memory_space<semaphore_mem>>) src(%dma_wait3A_409 : memref<512xi32, #tpu.memory_space<hbm>>) dst(%dma_wait3A_408 : memref<512xi32, #tpu.memory_space<vmem>>)
      tpu.yield
    }) : () -> ()
    %add3A_47 = arith.constant 360448 : i32
    %add3A_48 = arith.addi %add3A_47, %mul3A_2 : i32
    "tpu.region"() ({
      %run_scoped3A = tpu.sem_alloc : memref<!tpu.dma_semaphore, #tpu.memory_space<semaphore_mem>>
      %dma_start3A_398 = arith.constant 11264 : i32
      %dma_start3A_399 = tpu.memref_slice %arg5[%dma_start3A_398] : memref<13312xi32, #tpu.memory_space<vmem>> -> memref<512xi32, #tpu.memory_space<vmem>>
      %dma_start3A_400 = tpu.memref_slice %arg2[%add3A_48] : memref<425984xi32, #tpu.memory_space<hbm>> -> memref<512xi32, #tpu.memory_space<hbm>>
      %dma_start3A_401 = arith.constant 11264 : i32
      %dma_start3A_402 = tpu.memref_slice %arg5[%dma_start3A_401] : memref<13312xi32, #tpu.memory_space<vmem>> -> memref<512xi32, #tpu.memory_space<vmem>>
      %dma_start3A_403 = tpu.memref_slice %arg2[%add3A_48] : memref<425984xi32, #tpu.memory_space<hbm>> -> memref<512xi32, #tpu.memory_space<hbm>>
      tpu.enqueue_dma source(%dma_start3A_403 : memref<512xi32, #tpu.memory_space<hbm>>) target(%dma_start3A_402 : memref<512xi32, #tpu.memory_space<vmem>>) target_semaphore(%run_scoped3A : memref<!tpu.dma_semaphore, #tpu.memory_space<semaphore_mem>>)
      %dma_wait3A_404 = arith.constant 11264 : i32
      %dma_wait3A_405 = tpu.memref_slice %arg5[%dma_wait3A_404] : memref<13312xi32, #tpu.memory_space<vmem>> -> memref<512xi32, #tpu.memory_space<vmem>>
      %dma_wait3A_406 = tpu.memref_slice %arg2[%add3A_48] : memref<425984xi32, #tpu.memory_space<hbm>> -> memref<512xi32, #tpu.memory_space<hbm>>
      %dma_wait3A_407 = arith.constant 11264 : i32
      %dma_wait3A_408 = tpu.memref_slice %arg5[%dma_wait3A_407] : memref<13312xi32, #tpu.memory_space<vmem>> -> memref<512xi32, #tpu.memory_space<vmem>>
      %dma_wait3A_409 = tpu.memref_slice %arg2[%add3A_48] : memref<425984xi32, #tpu.memory_space<hbm>> -> memref<512xi32, #tpu.memory_space<hbm>>
      tpu.wait_dma2 semaphore(%run_scoped3A : memref<!tpu.dma_semaphore, #tpu.memory_space<semaphore_mem>>) src(%dma_wait3A_409 : memref<512xi32, #tpu.memory_space<hbm>>) dst(%dma_wait3A_408 : memref<512xi32, #tpu.memory_space<vmem>>)
      tpu.yield
    }) : () -> ()
    %add3A_49 = arith.constant 376832 : i32
    %add3A_50 = arith.addi %add3A_49, %mul3A_2 : i32
    "tpu.region"() ({
      %run_scoped3A = tpu.sem_alloc : memref<!tpu.dma_semaphore, #tpu.memory_space<semaphore_mem>>
      %dma_start3A_398 = arith.constant 11776 : i32
      %dma_start3A_399 = tpu.memref_slice %arg5[%dma_start3A_398] : memref<13312xi32, #tpu.memory_space<vmem>> -> memref<512xi32, #tpu.memory_space<vmem>>
      %dma_start3A_400 = tpu.memref_slice %arg2[%add3A_50] : memref<425984xi32, #tpu.memory_space<hbm>> -> memref<512xi32, #tpu.memory_space<hbm>>
      %dma_start3A_401 = arith.constant 11776 : i32
      %dma_start3A_402 = tpu.memref_slice %arg5[%dma_start3A_401] : memref<13312xi32, #tpu.memory_space<vmem>> -> memref<512xi32, #tpu.memory_space<vmem>>
      %dma_start3A_403 = tpu.memref_slice %arg2[%add3A_50] : memref<425984xi32, #tpu.memory_space<hbm>> -> memref<512xi32, #tpu.memory_space<hbm>>
      tpu.enqueue_dma source(%dma_start3A_403 : memref<512xi32, #tpu.memory_space<hbm>>) target(%dma_start3A_402 : memref<512xi32, #tpu.memory_space<vmem>>) target_semaphore(%run_scoped3A : memref<!tpu.dma_semaphore, #tpu.memory_space<semaphore_mem>>)
      %dma_wait3A_404 = arith.constant 11776 : i32
      %dma_wait3A_405 = tpu.memref_slice %arg5[%dma_wait3A_404] : memref<13312xi32, #tpu.memory_space<vmem>> -> memref<512xi32, #tpu.memory_space<vmem>>
      %dma_wait3A_406 = tpu.memref_slice %arg2[%add3A_50] : memref<425984xi32, #tpu.memory_space<hbm>> -> memref<512xi32, #tpu.memory_space<hbm>>
      %dma_wait3A_407 = arith.constant 11776 : i32
      %dma_wait3A_408 = tpu.memref_slice %arg5[%dma_wait3A_407] : memref<13312xi32, #tpu.memory_space<vmem>> -> memref<512xi32, #tpu.memory_space<vmem>>
      %dma_wait3A_409 = tpu.memref_slice %arg2[%add3A_50] : memref<425984xi32, #tpu.memory_space<hbm>> -> memref<512xi32, #tpu.memory_space<hbm>>
      tpu.wait_dma2 semaphore(%run_scoped3A : memref<!tpu.dma_semaphore, #tpu.memory_space<semaphore_mem>>) src(%dma_wait3A_409 : memref<512xi32, #tpu.memory_space<hbm>>) dst(%dma_wait3A_408 : memref<512xi32, #tpu.memory_space<vmem>>)
      tpu.yield
    }) : () -> ()
    %add3A_51 = arith.constant 393216 : i32
    %add3A_52 = arith.addi %add3A_51, %mul3A_2 : i32
    "tpu.region"() ({
      %run_scoped3A = tpu.sem_alloc : memref<!tpu.dma_semaphore, #tpu.memory_space<semaphore_mem>>
      %dma_start3A_398 = arith.constant 12288 : i32
      %dma_start3A_399 = tpu.memref_slice %arg5[%dma_start3A_398] : memref<13312xi32, #tpu.memory_space<vmem>> -> memref<512xi32, #tpu.memory_space<vmem>>
      %dma_start3A_400 = tpu.memref_slice %arg2[%add3A_52] : memref<425984xi32, #tpu.memory_space<hbm>> -> memref<512xi32, #tpu.memory_space<hbm>>
      %dma_start3A_401 = arith.constant 12288 : i32
      %dma_start3A_402 = tpu.memref_slice %arg5[%dma_start3A_401] : memref<13312xi32, #tpu.memory_space<vmem>> -> memref<512xi32, #tpu.memory_space<vmem>>
      %dma_start3A_403 = tpu.memref_slice %arg2[%add3A_52] : memref<425984xi32, #tpu.memory_space<hbm>> -> memref<512xi32, #tpu.memory_space<hbm>>
      tpu.enqueue_dma source(%dma_start3A_403 : memref<512xi32, #tpu.memory_space<hbm>>) target(%dma_start3A_402 : memref<512xi32, #tpu.memory_space<vmem>>) target_semaphore(%run_scoped3A : memref<!tpu.dma_semaphore, #tpu.memory_space<semaphore_mem>>)
      %dma_wait3A_404 = arith.constant 12288 : i32
      %dma_wait3A_405 = tpu.memref_slice %arg5[%dma_wait3A_404] : memref<13312xi32, #tpu.memory_space<vmem>> -> memref<512xi32, #tpu.memory_space<vmem>>
      %dma_wait3A_406 = tpu.memref_slice %arg2[%add3A_52] : memref<425984xi32, #tpu.memory_space<hbm>> -> memref<512xi32, #tpu.memory_space<hbm>>
      %dma_wait3A_407 = arith.constant 12288 : i32
      %dma_wait3A_408 = tpu.memref_slice %arg5[%dma_wait3A_407] : memref<13312xi32, #tpu.memory_space<vmem>> -> memref<512xi32, #tpu.memory_space<vmem>>
      %dma_wait3A_409 = tpu.memref_slice %arg2[%add3A_52] : memref<425984xi32, #tpu.memory_space<hbm>> -> memref<512xi32, #tpu.memory_space<hbm>>
      tpu.wait_dma2 semaphore(%run_scoped3A : memref<!tpu.dma_semaphore, #tpu.memory_space<semaphore_mem>>) src(%dma_wait3A_409 : memref<512xi32, #tpu.memory_space<hbm>>) dst(%dma_wait3A_408 : memref<512xi32, #tpu.memory_space<vmem>>)
      tpu.yield
    }) : () -> ()
    %add3A_53 = arith.constant 409600 : i32
    %add3A_54 = arith.addi %add3A_53, %mul3A_2 : i32
    "tpu.region"() ({
      %run_scoped3A = tpu.sem_alloc : memref<!tpu.dma_semaphore, #tpu.memory_space<semaphore_mem>>
      %dma_start3A_398 = arith.constant 12800 : i32
      %dma_start3A_399 = tpu.memref_slice %arg5[%dma_start3A_398] : memref<13312xi32, #tpu.memory_space<vmem>> -> memref<512xi32, #tpu.memory_space<vmem>>
      %dma_start3A_400 = tpu.memref_slice %arg2[%add3A_54] : memref<425984xi32, #tpu.memory_space<hbm>> -> memref<512xi32, #tpu.memory_space<hbm>>
      %dma_start3A_401 = arith.constant 12800 : i32
      %dma_start3A_402 = tpu.memref_slice %arg5[%dma_start3A_401] : memref<13312xi32, #tpu.memory_space<vmem>> -> memref<512xi32, #tpu.memory_space<vmem>>
      %dma_start3A_403 = tpu.memref_slice %arg2[%add3A_54] : memref<425984xi32, #tpu.memory_space<hbm>> -> memref<512xi32, #tpu.memory_space<hbm>>
      tpu.enqueue_dma source(%dma_start3A_403 : memref<512xi32, #tpu.memory_space<hbm>>) target(%dma_start3A_402 : memref<512xi32, #tpu.memory_space<vmem>>) target_semaphore(%run_scoped3A : memref<!tpu.dma_semaphore, #tpu.memory_space<semaphore_mem>>)
      %dma_wait3A_404 = arith.constant 12800 : i32
      %dma_wait3A_405 = tpu.memref_slice %arg5[%dma_wait3A_404] : memref<13312xi32, #tpu.memory_space<vmem>> -> memref<512xi32, #tpu.memory_space<vmem>>
      %dma_wait3A_406 = tpu.memref_slice %arg2[%add3A_54] : memref<425984xi32, #tpu.memory_space<hbm>> -> memref<512xi32, #tpu.memory_space<hbm>>
      %dma_wait3A_407 = arith.constant 12800 : i32
      %dma_wait3A_408 = tpu.memref_slice %arg5[%dma_wait3A_407] : memref<13312xi32, #tpu.memory_space<vmem>> -> memref<512xi32, #tpu.memory_space<vmem>>
      %dma_wait3A_409 = tpu.memref_slice %arg2[%add3A_54] : memref<425984xi32, #tpu.memory_space<hbm>> -> memref<512xi32, #tpu.memory_space<hbm>>
      tpu.wait_dma2 semaphore(%run_scoped3A : memref<!tpu.dma_semaphore, #tpu.memory_space<semaphore_mem>>) src(%dma_wait3A_409 : memref<512xi32, #tpu.memory_space<hbm>>) dst(%dma_wait3A_408 : memref<512xi32, #tpu.memory_space<vmem>>)
      tpu.yield
    }) : () -> ()
    %broadcast_in_dim3A = arith.constant 0.000000e+00 : f32
    %broadcast_in_dim3A_55 = vector.broadcast %broadcast_in_dim3A : f32 to vector<16xf32>
    %scan3A = arith.constant 0 : i32
    %scan3A_56 = arith.constant 0 : i32
    %scan3A_57 = arith.constant 512 : i32
    %scan3A_58 = arith.addi %scan3A_56, %scan3A_57 : i32
    %scan3A_59 = arith.constant 1 : i32
    %scan3A_60 = scf.for %scan3A_398 = %scan3A_56 to %scan3A_58 step %scan3A_59 iter_args(%scan3A_399 = %scan3A) -> (i32)  : i32 {
      %swap3A = arith.index_cast %scan3A_398 : i32 to index
      %swap3A_400 = arith.constant 0 : index
      %swap3A_401 = tpu.vector_load %arg32[%swap3A, %swap3A_400] {strides = array<i32>} : memref<512x64xf32, #tpu.memory_space<vmem>>, vector<1x16xf32>,
      %swap3A_402 = vector.shape_cast %swap3A_401 : vector<1x16xf32> to vector<16xf32>
      %swap3A_403 = vector.shape_cast %broadcast_in_dim3A_55 : vector<16xf32> to vector<1x16xf32>
      tpu.vector_store %arg32[%swap3A, %swap3A_400], %swap3A_403 {strides = array<i32>} : memref<512x64xf32, #tpu.memory_space<vmem>>, vector<1x16xf32>,
      %swap3A_404 = arith.index_cast %scan3A_398 : i32 to index
      %swap3A_405 = arith.constant 16 : index
      %swap3A_406 = tpu.vector_load %arg32[%swap3A_404, %swap3A_405] {strides = array<i32>} : memref<512x64xf32, #tpu.memory_space<vmem>>, vector<1x16xf32>,
      %swap3A_407 = vector.shape_cast %swap3A_406 : vector<1x16xf32> to vector<16xf32>
      %swap3A_408 = vector.shape_cast %broadcast_in_dim3A_55 : vector<16xf32> to vector<1x16xf32>
      tpu.vector_store %arg32[%swap3A_404, %swap3A_405], %swap3A_408 {strides = array<i32>} : memref<512x64xf32, #tpu.memory_space<vmem>>, vector<1x16xf32>,
      %swap3A_409 = arith.index_cast %scan3A_398 : i32 to index
      %swap3A_410 = arith.constant 32 : index
      %swap3A_411 = tpu.vector_load %arg32[%swap3A_409, %swap3A_410] {strides = array<i32>} : memref<512x64xf32, #tpu.memory_space<vmem>>, vector<1x16xf32>,
      %swap3A_412 = vector.shape_cast %swap3A_411 : vector<1x16xf32> to vector<16xf32>
      %swap3A_413 = vector.shape_cast %broadcast_in_dim3A_55 : vector<16xf32> to vector<1x16xf32>
      tpu.vector_store %arg32[%swap3A_409, %swap3A_410], %swap3A_413 {strides = array<i32>} : memref<512x64xf32, #tpu.memory_space<vmem>>, vector<1x16xf32>,
      %swap3A_414 = arith.index_cast %scan3A_398 : i32 to index
      %swap3A_415 = arith.constant 48 : index
      %swap3A_416 = tpu.vector_load %arg32[%swap3A_414, %swap3A_415] {strides = array<i32>} : memref<512x64xf32, #tpu.memory_space<vmem>>, vector<1x16xf32>,
      %swap3A_417 = vector.shape_cast %swap3A_416 : vector<1x16xf32> to vector<16xf32>
      %swap3A_418 = vector.shape_cast %broadcast_in_dim3A_55 : vector<16xf32> to vector<1x16xf32>
      tpu.vector_store %arg32[%swap3A_414, %swap3A_415], %swap3A_418 {strides = array<i32>} : memref<512x64xf32, #tpu.memory_space<vmem>>, vector<1x16xf32>,
      %scan3A_419 = arith.constant 0 : i32
      scf.yield %scan3A_419 : i32
    }
    %scan3A_61 = arith.constant 512 : i32
    %scan3A_62 = arith.constant 0 : i32
    %scan3A_63 = arith.constant 0 : i32
    %scan3A_64 = arith.constant 32 : i32
    %scan3A_65 = arith.addi %scan3A_63, %scan3A_64 : i32
    %scan3A_66 = arith.constant 1 : i32
    %scan3A_67 = scf.for %scan3A_398 = %scan3A_63 to %scan3A_65 step %scan3A_66 iter_args(%scan3A_399 = %scan3A_62) -> (i32)  : i32 {
      %mul3A_400 = arith.constant 16 : i32
      %mul3A_401 = arith.muli %scan3A_398, %mul3A_400 : i32
      %mul3A_402 = arith.constant 16 : i32
      %mul3A_403 = arith.muli %scan3A_398, %mul3A_402 : i32
      %add3A_404 = arith.constant 0 : i32
      %add3A_405 = arith.addi %add3A_404, %mul3A_403 : i32
      %get3A = arith.index_cast %add3A_405 : i32 to index
      %get3A_406 = tpu.vector_load %arg5[%get3A] {strides = array<i32>} : memref<13312xi32, #tpu.memory_space<vmem>>, vector<16xi32>,
      %get3A_407 = vector.shape_cast %get3A_406 : vector<16xi32> to vector<16xi32>
      %add3A_408 = arith.constant 0 : i32
      %add3A_409 = vector.broadcast %add3A_408 : i32 to vector<16xi32>
      %add3A_410 = arith.addi %get3A_407, %add3A_409 : vector<16xi32>
      %swap3A = arith.index_cast %mul3A_401 : i32 to index
      %swap3A_411 = tpu.vector_load %arg6[%swap3A] {strides = array<i32>} : memref<512xi32, #tpu.memory_space<vmem>>, vector<16xi32>,
      %swap3A_412 = vector.shape_cast %swap3A_411 : vector<16xi32> to vector<16xi32>
      %swap3A_413 = vector.shape_cast %add3A_410 : vector<16xi32> to vector<16xi32>
      tpu.vector_store %arg6[%swap3A], %swap3A_413 {strides = array<i32>} : memref<512xi32, #tpu.memory_space<vmem>>, vector<16xi32>,
      %scan3A_414 = arith.constant 0 : i32
      scf.yield %scan3A_414 : i32
    }
    %scan3A_68 = arith.constant 32 : i32
    %dma_start3A = arith.constant 0 : i32
    %dma_start3A_69 = arith.constant 0 : i32
    %dma_start3A_70 = tpu.memref_slice %arg3[%dma_start3A, %dma_start3A_69] : memref<2600000x64xf32, #tpu.memory_space<hbm>> -> memref<2600000x64xf32, #tpu.memory_space<hbm>>
    tpu.enqueue_indirect_dma source(%dma_start3A_70 : memref<2600000x64xf32, #tpu.memory_space<hbm>>) target(%arg32 : memref<512x64xf32, #tpu.memory_space<vmem>>) offsets(%arg6 : memref<512xi32, #tpu.memory_space<vmem>>) semaphore(%arg33 : memref<!tpu.dma_semaphore, #tpu.memory_space<semaphore_mem>>) {add = true}
    %scan3A_71 = arith.constant 0 : i32
    %scan3A_72 = arith.constant 0 : i32
    %scan3A_73 = arith.constant 32 : i32
    %scan3A_74 = arith.addi %scan3A_72, %scan3A_73 : i32
    %scan3A_75 = arith.constant 1 : i32
    %scan3A_76 = scf.for %scan3A_398 = %scan3A_72 to %scan3A_74 step %scan3A_75 iter_args(%scan3A_399 = %scan3A_71) -> (i32)  : i32 {
      %mul3A_400 = arith.constant 16 : i32
      %mul3A_401 = arith.muli %scan3A_398, %mul3A_400 : i32
      %mul3A_402 = arith.constant 16 : i32
      %mul3A_403 = arith.muli %scan3A_398, %mul3A_402 : i32
      %add3A_404 = arith.constant 512 : i32
      %add3A_405 = arith.addi %add3A_404, %mul3A_403 : i32
      %get3A = arith.index_cast %add3A_405 : i32 to index
      %get3A_406 = tpu.vector_load %arg5[%get3A] {strides = array<i32>} : memref<13312xi32, #tpu.memory_space<vmem>>, vector<16xi32>,
      %get3A_407 = vector.shape_cast %get3A_406 : vector<16xi32> to vector<16xi32>
      %add3A_408 = arith.constant 100000 : i32
      %add3A_409 = vector.broadcast %add3A_408 : i32 to vector<16xi32>
      %add3A_410 = arith.addi %get3A_407, %add3A_409 : vector<16xi32>
      %swap3A = arith.index_cast %mul3A_401 : i32 to index
      %swap3A_411 = tpu.vector_load %arg7[%swap3A] {strides = array<i32>} : memref<512xi32, #tpu.memory_space<vmem>>, vector<16xi32>,
      %swap3A_412 = vector.shape_cast %swap3A_411 : vector<16xi32> to vector<16xi32>
      %swap3A_413 = vector.shape_cast %add3A_410 : vector<16xi32> to vector<16xi32>
      tpu.vector_store %arg7[%swap3A], %swap3A_413 {strides = array<i32>} : memref<512xi32, #tpu.memory_space<vmem>>, vector<16xi32>,
      %scan3A_414 = arith.constant 0 : i32
      scf.yield %scan3A_414 : i32
    }
    %scan3A_77 = arith.constant 32 : i32
    %dma_start3A_78 = arith.constant 0 : i32
    %dma_start3A_79 = arith.constant 0 : i32
    %dma_start3A_80 = tpu.memref_slice %arg3[%dma_start3A_78, %dma_start3A_79] : memref<2600000x64xf32, #tpu.memory_space<hbm>> -> memref<2600000x64xf32, #tpu.memory_space<hbm>>
    tpu.enqueue_indirect_dma source(%dma_start3A_80 : memref<2600000x64xf32, #tpu.memory_space<hbm>>) target(%arg32 : memref<512x64xf32, #tpu.memory_space<vmem>>) offsets(%arg7 : memref<512xi32, #tpu.memory_space<vmem>>) semaphore(%arg33 : memref<!tpu.dma_semaphore, #tpu.memory_space<semaphore_mem>>) {add = true}
    %scan3A_81 = arith.constant 0 : i32
    %scan3A_82 = arith.constant 0 : i32
    %scan3A_83 = arith.constant 32 : i32
    %scan3A_84 = arith.addi %scan3A_82, %scan3A_83 : i32
    %scan3A_85 = arith.constant 1 : i32
    %scan3A_86 = scf.for %scan3A_398 = %scan3A_82 to %scan3A_84 step %scan3A_85 iter_args(%scan3A_399 = %scan3A_81) -> (i32)  : i32 {
      %mul3A_400 = arith.constant 16 : i32
      %mul3A_401 = arith.muli %scan3A_398, %mul3A_400 : i32
      %mul3A_402 = arith.constant 16 : i32
      %mul3A_403 = arith.muli %scan3A_398, %mul3A_402 : i32
      %add3A_404 = arith.constant 1024 : i32
      %add3A_405 = arith.addi %add3A_404, %mul3A_403 : i32
      %get3A = arith.index_cast %add3A_405 : i32 to index
      %get3A_406 = tpu.vector_load %arg5[%get3A] {strides = array<i32>} : memref<13312xi32, #tpu.memory_space<vmem>>, vector<16xi32>,
      %get3A_407 = vector.shape_cast %get3A_406 : vector<16xi32> to vector<16xi32>
      %add3A_408 = arith.constant 200000 : i32
      %add3A_409 = vector.broadcast %add3A_408 : i32 to vector<16xi32>
      %add3A_410 = arith.addi %get3A_407, %add3A_409 : vector<16xi32>
      %swap3A = arith.index_cast %mul3A_401 : i32 to index
      %swap3A_411 = tpu.vector_load %arg8[%swap3A] {strides = array<i32>} : memref<512xi32, #tpu.memory_space<vmem>>, vector<16xi32>,
      %swap3A_412 = vector.shape_cast %swap3A_411 : vector<16xi32> to vector<16xi32>
      %swap3A_413 = vector.shape_cast %add3A_410 : vector<16xi32> to vector<16xi32>
      tpu.vector_store %arg8[%swap3A], %swap3A_413 {strides = array<i32>} : memref<512xi32, #tpu.memory_space<vmem>>, vector<16xi32>,
      %scan3A_414 = arith.constant 0 : i32
      scf.yield %scan3A_414 : i32
    }
    %scan3A_87 = arith.constant 32 : i32
    %dma_start3A_88 = arith.constant 0 : i32
    %dma_start3A_89 = arith.constant 0 : i32
    %dma_start3A_90 = tpu.memref_slice %arg3[%dma_start3A_88, %dma_start3A_89] : memref<2600000x64xf32, #tpu.memory_space<hbm>> -> memref<2600000x64xf32, #tpu.memory_space<hbm>>
    tpu.enqueue_indirect_dma source(%dma_start3A_90 : memref<2600000x64xf32, #tpu.memory_space<hbm>>) target(%arg32 : memref<512x64xf32, #tpu.memory_space<vmem>>) offsets(%arg8 : memref<512xi32, #tpu.memory_space<vmem>>) semaphore(%arg33 : memref<!tpu.dma_semaphore, #tpu.memory_space<semaphore_mem>>) {add = true}
    %scan3A_91 = arith.constant 0 : i32
    %scan3A_92 = arith.constant 0 : i32
    %scan3A_93 = arith.constant 32 : i32
    %scan3A_94 = arith.addi %scan3A_92, %scan3A_93 : i32
    %scan3A_95 = arith.constant 1 : i32
    %scan3A_96 = scf.for %scan3A_398 = %scan3A_92 to %scan3A_94 step %scan3A_95 iter_args(%scan3A_399 = %scan3A_91) -> (i32)  : i32 {
      %mul3A_400 = arith.constant 16 : i32
      %mul3A_401 = arith.muli %scan3A_398, %mul3A_400 : i32
      %mul3A_402 = arith.constant 16 : i32
      %mul3A_403 = arith.muli %scan3A_398, %mul3A_402 : i32
      %add3A_404 = arith.constant 1536 : i32
      %add3A_405 = arith.addi %add3A_404, %mul3A_403 : i32
      %get3A = arith.index_cast %add3A_405 : i32 to index
      %get3A_406 = tpu.vector_load %arg5[%get3A] {strides = array<i32>} : memref<13312xi32, #tpu.memory_space<vmem>>, vector<16xi32>,
      %get3A_407 = vector.shape_cast %get3A_406 : vector<16xi32> to vector<16xi32>
      %add3A_408 = arith.constant 300000 : i32
      %add3A_409 = vector.broadcast %add3A_408 : i32 to vector<16xi32>
      %add3A_410 = arith.addi %get3A_407, %add3A_409 : vector<16xi32>
      %swap3A = arith.index_cast %mul3A_401 : i32 to index
      %swap3A_411 = tpu.vector_load %arg9[%swap3A] {strides = array<i32>} : memref<512xi32, #tpu.memory_space<vmem>>, vector<16xi32>,
      %swap3A_412 = vector.shape_cast %swap3A_411 : vector<16xi32> to vector<16xi32>
      %swap3A_413 = vector.shape_cast %add3A_410 : vector<16xi32> to vector<16xi32>
      tpu.vector_store %arg9[%swap3A], %swap3A_413 {strides = array<i32>} : memref<512xi32, #tpu.memory_space<vmem>>, vector<16xi32>,
      %scan3A_414 = arith.constant 0 : i32
      scf.yield %scan3A_414 : i32
    }
    %scan3A_97 = arith.constant 32 : i32
    %dma_start3A_98 = arith.constant 0 : i32
    %dma_start3A_99 = arith.constant 0 : i32
    %dma_start3A_100 = tpu.memref_slice %arg3[%dma_start3A_98, %dma_start3A_99] : memref<2600000x64xf32, #tpu.memory_space<hbm>> -> memref<2600000x64xf32, #tpu.memory_space<hbm>>
    tpu.enqueue_indirect_dma source(%dma_start3A_100 : memref<2600000x64xf32, #tpu.memory_space<hbm>>) target(%arg32 : memref<512x64xf32, #tpu.memory_space<vmem>>) offsets(%arg9 : memref<512xi32, #tpu.memory_space<vmem>>) semaphore(%arg33 : memref<!tpu.dma_semaphore, #tpu.memory_space<semaphore_mem>>) {add = true}
    %scan3A_101 = arith.constant 0 : i32
    %scan3A_102 = arith.constant 0 : i32
    %scan3A_103 = arith.constant 32 : i32
    %scan3A_104 = arith.addi %scan3A_102, %scan3A_103 : i32
    %scan3A_105 = arith.constant 1 : i32
    %scan3A_106 = scf.for %scan3A_398 = %scan3A_102 to %scan3A_104 step %scan3A_105 iter_args(%scan3A_399 = %scan3A_101) -> (i32)  : i32 {
      %mul3A_400 = arith.constant 16 : i32
      %mul3A_401 = arith.muli %scan3A_398, %mul3A_400 : i32
      %mul3A_402 = arith.constant 16 : i32
      %mul3A_403 = arith.muli %scan3A_398, %mul3A_402 : i32
      %add3A_404 = arith.constant 2048 : i32
      %add3A_405 = arith.addi %add3A_404, %mul3A_403 : i32
      %get3A = arith.index_cast %add3A_405 : i32 to index
      %get3A_406 = tpu.vector_load %arg5[%get3A] {strides = array<i32>} : memref<13312xi32, #tpu.memory_space<vmem>>, vector<16xi32>,
      %get3A_407 = vector.shape_cast %get3A_406 : vector<16xi32> to vector<16xi32>
      %add3A_408 = arith.constant 400000 : i32
      %add3A_409 = vector.broadcast %add3A_408 : i32 to vector<16xi32>
      %add3A_410 = arith.addi %get3A_407, %add3A_409 : vector<16xi32>
      %swap3A = arith.index_cast %mul3A_401 : i32 to index
      %swap3A_411 = tpu.vector_load %arg10[%swap3A] {strides = array<i32>} : memref<512xi32, #tpu.memory_space<vmem>>, vector<16xi32>,
      %swap3A_412 = vector.shape_cast %swap3A_411 : vector<16xi32> to vector<16xi32>
      %swap3A_413 = vector.shape_cast %add3A_410 : vector<16xi32> to vector<16xi32>
      tpu.vector_store %arg10[%swap3A], %swap3A_413 {strides = array<i32>} : memref<512xi32, #tpu.memory_space<vmem>>, vector<16xi32>,
      %scan3A_414 = arith.constant 0 : i32
      scf.yield %scan3A_414 : i32
    }
    %scan3A_107 = arith.constant 32 : i32
    %dma_start3A_108 = arith.constant 0 : i32
    %dma_start3A_109 = arith.constant 0 : i32
    %dma_start3A_110 = tpu.memref_slice %arg3[%dma_start3A_108, %dma_start3A_109] : memref<2600000x64xf32, #tpu.memory_space<hbm>> -> memref<2600000x64xf32, #tpu.memory_space<hbm>>
    tpu.enqueue_indirect_dma source(%dma_start3A_110 : memref<2600000x64xf32, #tpu.memory_space<hbm>>) target(%arg32 : memref<512x64xf32, #tpu.memory_space<vmem>>) offsets(%arg10 : memref<512xi32, #tpu.memory_space<vmem>>) semaphore(%arg33 : memref<!tpu.dma_semaphore, #tpu.memory_space<semaphore_mem>>) {add = true}
    %scan3A_111 = arith.constant 0 : i32
    %scan3A_112 = arith.constant 0 : i32
    %scan3A_113 = arith.constant 32 : i32
    %scan3A_114 = arith.addi %scan3A_112, %scan3A_113 : i32
    %scan3A_115 = arith.constant 1 : i32
    %scan3A_116 = scf.for %scan3A_398 = %scan3A_112 to %scan3A_114 step %scan3A_115 iter_args(%scan3A_399 = %scan3A_111) -> (i32)  : i32 {
      %mul3A_400 = arith.constant 16 : i32
      %mul3A_401 = arith.muli %scan3A_398, %mul3A_400 : i32
      %mul3A_402 = arith.constant 16 : i32
      %mul3A_403 = arith.muli %scan3A_398, %mul3A_402 : i32
      %add3A_404 = arith.constant 2560 : i32
      %add3A_405 = arith.addi %add3A_404, %mul3A_403 : i32
      %get3A = arith.index_cast %add3A_405 : i32 to index
      %get3A_406 = tpu.vector_load %arg5[%get3A] {strides = array<i32>} : memref<13312xi32, #tpu.memory_space<vmem>>, vector<16xi32>,
      %get3A_407 = vector.shape_cast %get3A_406 : vector<16xi32> to vector<16xi32>
      %add3A_408 = arith.constant 500000 : i32
      %add3A_409 = vector.broadcast %add3A_408 : i32 to vector<16xi32>
      %add3A_410 = arith.addi %get3A_407, %add3A_409 : vector<16xi32>
      %swap3A = arith.index_cast %mul3A_401 : i32 to index
      %swap3A_411 = tpu.vector_load %arg11[%swap3A] {strides = array<i32>} : memref<512xi32, #tpu.memory_space<vmem>>, vector<16xi32>,
      %swap3A_412 = vector.shape_cast %swap3A_411 : vector<16xi32> to vector<16xi32>
      %swap3A_413 = vector.shape_cast %add3A_410 : vector<16xi32> to vector<16xi32>
      tpu.vector_store %arg11[%swap3A], %swap3A_413 {strides = array<i32>} : memref<512xi32, #tpu.memory_space<vmem>>, vector<16xi32>,
      %scan3A_414 = arith.constant 0 : i32
      scf.yield %scan3A_414 : i32
    }
    %scan3A_117 = arith.constant 32 : i32
    %dma_start3A_118 = arith.constant 0 : i32
    %dma_start3A_119 = arith.constant 0 : i32
    %dma_start3A_120 = tpu.memref_slice %arg3[%dma_start3A_118, %dma_start3A_119] : memref<2600000x64xf32, #tpu.memory_space<hbm>> -> memref<2600000x64xf32, #tpu.memory_space<hbm>>
    tpu.enqueue_indirect_dma source(%dma_start3A_120 : memref<2600000x64xf32, #tpu.memory_space<hbm>>) target(%arg32 : memref<512x64xf32, #tpu.memory_space<vmem>>) offsets(%arg11 : memref<512xi32, #tpu.memory_space<vmem>>) semaphore(%arg33 : memref<!tpu.dma_semaphore, #tpu.memory_space<semaphore_mem>>) {add = true}
    %scan3A_121 = arith.constant 0 : i32
    %scan3A_122 = arith.constant 0 : i32
    %scan3A_123 = arith.constant 32 : i32
    %scan3A_124 = arith.addi %scan3A_122, %scan3A_123 : i32
    %scan3A_125 = arith.constant 1 : i32
    %scan3A_126 = scf.for %scan3A_398 = %scan3A_122 to %scan3A_124 step %scan3A_125 iter_args(%scan3A_399 = %scan3A_121) -> (i32)  : i32 {
      %mul3A_400 = arith.constant 16 : i32
      %mul3A_401 = arith.muli %scan3A_398, %mul3A_400 : i32
      %mul3A_402 = arith.constant 16 : i32
      %mul3A_403 = arith.muli %scan3A_398, %mul3A_402 : i32
      %add3A_404 = arith.constant 3072 : i32
      %add3A_405 = arith.addi %add3A_404, %mul3A_403 : i32
      %get3A = arith.index_cast %add3A_405 : i32 to index
      %get3A_406 = tpu.vector_load %arg5[%get3A] {strides = array<i32>} : memref<13312xi32, #tpu.memory_space<vmem>>, vector<16xi32>,
      %get3A_407 = vector.shape_cast %get3A_406 : vector<16xi32> to vector<16xi32>
      %add3A_408 = arith.constant 600000 : i32
      %add3A_409 = vector.broadcast %add3A_408 : i32 to vector<16xi32>
      %add3A_410 = arith.addi %get3A_407, %add3A_409 : vector<16xi32>
      %swap3A = arith.index_cast %mul3A_401 : i32 to index
      %swap3A_411 = tpu.vector_load %arg12[%swap3A] {strides = array<i32>} : memref<512xi32, #tpu.memory_space<vmem>>, vector<16xi32>,
      %swap3A_412 = vector.shape_cast %swap3A_411 : vector<16xi32> to vector<16xi32>
      %swap3A_413 = vector.shape_cast %add3A_410 : vector<16xi32> to vector<16xi32>
      tpu.vector_store %arg12[%swap3A], %swap3A_413 {strides = array<i32>} : memref<512xi32, #tpu.memory_space<vmem>>, vector<16xi32>,
      %scan3A_414 = arith.constant 0 : i32
      scf.yield %scan3A_414 : i32
    }
    %scan3A_127 = arith.constant 32 : i32
    %dma_start3A_128 = arith.constant 0 : i32
    %dma_start3A_129 = arith.constant 0 : i32
    %dma_start3A_130 = tpu.memref_slice %arg3[%dma_start3A_128, %dma_start3A_129] : memref<2600000x64xf32, #tpu.memory_space<hbm>> -> memref<2600000x64xf32, #tpu.memory_space<hbm>>
    tpu.enqueue_indirect_dma source(%dma_start3A_130 : memref<2600000x64xf32, #tpu.memory_space<hbm>>) target(%arg32 : memref<512x64xf32, #tpu.memory_space<vmem>>) offsets(%arg12 : memref<512xi32, #tpu.memory_space<vmem>>) semaphore(%arg33 : memref<!tpu.dma_semaphore, #tpu.memory_space<semaphore_mem>>) {add = true}
    %scan3A_131 = arith.constant 0 : i32
    %scan3A_132 = arith.constant 0 : i32
    %scan3A_133 = arith.constant 32 : i32
    %scan3A_134 = arith.addi %scan3A_132, %scan3A_133 : i32
    %scan3A_135 = arith.constant 1 : i32
    %scan3A_136 = scf.for %scan3A_398 = %scan3A_132 to %scan3A_134 step %scan3A_135 iter_args(%scan3A_399 = %scan3A_131) -> (i32)  : i32 {
      %mul3A_400 = arith.constant 16 : i32
      %mul3A_401 = arith.muli %scan3A_398, %mul3A_400 : i32
      %mul3A_402 = arith.constant 16 : i32
      %mul3A_403 = arith.muli %scan3A_398, %mul3A_402 : i32
      %add3A_404 = arith.constant 3584 : i32
      %add3A_405 = arith.addi %add3A_404, %mul3A_403 : i32
      %get3A = arith.index_cast %add3A_405 : i32 to index
      %get3A_406 = tpu.vector_load %arg5[%get3A] {strides = array<i32>} : memref<13312xi32, #tpu.memory_space<vmem>>, vector<16xi32>,
      %get3A_407 = vector.shape_cast %get3A_406 : vector<16xi32> to vector<16xi32>
      %add3A_408 = arith.constant 700000 : i32
      %add3A_409 = vector.broadcast %add3A_408 : i32 to vector<16xi32>
      %add3A_410 = arith.addi %get3A_407, %add3A_409 : vector<16xi32>
      %swap3A = arith.index_cast %mul3A_401 : i32 to index
      %swap3A_411 = tpu.vector_load %arg13[%swap3A] {strides = array<i32>} : memref<512xi32, #tpu.memory_space<vmem>>, vector<16xi32>,
      %swap3A_412 = vector.shape_cast %swap3A_411 : vector<16xi32> to vector<16xi32>
      %swap3A_413 = vector.shape_cast %add3A_410 : vector<16xi32> to vector<16xi32>
      tpu.vector_store %arg13[%swap3A], %swap3A_413 {strides = array<i32>} : memref<512xi32, #tpu.memory_space<vmem>>, vector<16xi32>,
      %scan3A_414 = arith.constant 0 : i32
      scf.yield %scan3A_414 : i32
    }
    %scan3A_137 = arith.constant 32 : i32
    %dma_start3A_138 = arith.constant 0 : i32
    %dma_start3A_139 = arith.constant 0 : i32
    %dma_start3A_140 = tpu.memref_slice %arg3[%dma_start3A_138, %dma_start3A_139] : memref<2600000x64xf32, #tpu.memory_space<hbm>> -> memref<2600000x64xf32, #tpu.memory_space<hbm>>
    tpu.enqueue_indirect_dma source(%dma_start3A_140 : memref<2600000x64xf32, #tpu.memory_space<hbm>>) target(%arg32 : memref<512x64xf32, #tpu.memory_space<vmem>>) offsets(%arg13 : memref<512xi32, #tpu.memory_space<vmem>>) semaphore(%arg33 : memref<!tpu.dma_semaphore, #tpu.memory_space<semaphore_mem>>) {add = true}
    %scan3A_141 = arith.constant 0 : i32
    %scan3A_142 = arith.constant 0 : i32
    %scan3A_143 = arith.constant 32 : i32
    %scan3A_144 = arith.addi %scan3A_142, %scan3A_143 : i32
    %scan3A_145 = arith.constant 1 : i32
    %scan3A_146 = scf.for %scan3A_398 = %scan3A_142 to %scan3A_144 step %scan3A_145 iter_args(%scan3A_399 = %scan3A_141) -> (i32)  : i32 {
      %mul3A_400 = arith.constant 16 : i32
      %mul3A_401 = arith.muli %scan3A_398, %mul3A_400 : i32
      %mul3A_402 = arith.constant 16 : i32
      %mul3A_403 = arith.muli %scan3A_398, %mul3A_402 : i32
      %add3A_404 = arith.constant 4096 : i32
      %add3A_405 = arith.addi %add3A_404, %mul3A_403 : i32
      %get3A = arith.index_cast %add3A_405 : i32 to index
      %get3A_406 = tpu.vector_load %arg5[%get3A] {strides = array<i32>} : memref<13312xi32, #tpu.memory_space<vmem>>, vector<16xi32>,
      %get3A_407 = vector.shape_cast %get3A_406 : vector<16xi32> to vector<16xi32>
      %add3A_408 = arith.constant 800000 : i32
      %add3A_409 = vector.broadcast %add3A_408 : i32 to vector<16xi32>
      %add3A_410 = arith.addi %get3A_407, %add3A_409 : vector<16xi32>
      %swap3A = arith.index_cast %mul3A_401 : i32 to index
      %swap3A_411 = tpu.vector_load %arg14[%swap3A] {strides = array<i32>} : memref<512xi32, #tpu.memory_space<vmem>>, vector<16xi32>,
      %swap3A_412 = vector.shape_cast %swap3A_411 : vector<16xi32> to vector<16xi32>
      %swap3A_413 = vector.shape_cast %add3A_410 : vector<16xi32> to vector<16xi32>
      tpu.vector_store %arg14[%swap3A], %swap3A_413 {strides = array<i32>} : memref<512xi32, #tpu.memory_space<vmem>>, vector<16xi32>,
      %scan3A_414 = arith.constant 0 : i32
      scf.yield %scan3A_414 : i32
    }
    %scan3A_147 = arith.constant 32 : i32
    %dma_start3A_148 = arith.constant 0 : i32
    %dma_start3A_149 = arith.constant 0 : i32
    %dma_start3A_150 = tpu.memref_slice %arg3[%dma_start3A_148, %dma_start3A_149] : memref<2600000x64xf32, #tpu.memory_space<hbm>> -> memref<2600000x64xf32, #tpu.memory_space<hbm>>
    tpu.enqueue_indirect_dma source(%dma_start3A_150 : memref<2600000x64xf32, #tpu.memory_space<hbm>>) target(%arg32 : memref<512x64xf32, #tpu.memory_space<vmem>>) offsets(%arg14 : memref<512xi32, #tpu.memory_space<vmem>>) semaphore(%arg33 : memref<!tpu.dma_semaphore, #tpu.memory_space<semaphore_mem>>) {add = true}
    %scan3A_151 = arith.constant 0 : i32
    %scan3A_152 = arith.constant 0 : i32
    %scan3A_153 = arith.constant 32 : i32
    %scan3A_154 = arith.addi %scan3A_152, %scan3A_153 : i32
    %scan3A_155 = arith.constant 1 : i32
    %scan3A_156 = scf.for %scan3A_398 = %scan3A_152 to %scan3A_154 step %scan3A_155 iter_args(%scan3A_399 = %scan3A_151) -> (i32)  : i32 {
      %mul3A_400 = arith.constant 16 : i32
      %mul3A_401 = arith.muli %scan3A_398, %mul3A_400 : i32
      %mul3A_402 = arith.constant 16 : i32
      %mul3A_403 = arith.muli %scan3A_398, %mul3A_402 : i32
      %add3A_404 = arith.constant 4608 : i32
      %add3A_405 = arith.addi %add3A_404, %mul3A_403 : i32
      %get3A = arith.index_cast %add3A_405 : i32 to index
      %get3A_406 = tpu.vector_load %arg5[%get3A] {strides = array<i32>} : memref<13312xi32, #tpu.memory_space<vmem>>, vector<16xi32>,
      %get3A_407 = vector.shape_cast %get3A_406 : vector<16xi32> to vector<16xi32>
      %add3A_408 = arith.constant 900000 : i32
      %add3A_409 = vector.broadcast %add3A_408 : i32 to vector<16xi32>
      %add3A_410 = arith.addi %get3A_407, %add3A_409 : vector<16xi32>
      %swap3A = arith.index_cast %mul3A_401 : i32 to index
      %swap3A_411 = tpu.vector_load %arg15[%swap3A] {strides = array<i32>} : memref<512xi32, #tpu.memory_space<vmem>>, vector<16xi32>,
      %swap3A_412 = vector.shape_cast %swap3A_411 : vector<16xi32> to vector<16xi32>
      %swap3A_413 = vector.shape_cast %add3A_410 : vector<16xi32> to vector<16xi32>
      tpu.vector_store %arg15[%swap3A], %swap3A_413 {strides = array<i32>} : memref<512xi32, #tpu.memory_space<vmem>>, vector<16xi32>,
      %scan3A_414 = arith.constant 0 : i32
      scf.yield %scan3A_414 : i32
    }
    %scan3A_157 = arith.constant 32 : i32
    %dma_start3A_158 = arith.constant 0 : i32
    %dma_start3A_159 = arith.constant 0 : i32
    %dma_start3A_160 = tpu.memref_slice %arg3[%dma_start3A_158, %dma_start3A_159] : memref<2600000x64xf32, #tpu.memory_space<hbm>> -> memref<2600000x64xf32, #tpu.memory_space<hbm>>
    tpu.enqueue_indirect_dma source(%dma_start3A_160 : memref<2600000x64xf32, #tpu.memory_space<hbm>>) target(%arg32 : memref<512x64xf32, #tpu.memory_space<vmem>>) offsets(%arg15 : memref<512xi32, #tpu.memory_space<vmem>>) semaphore(%arg33 : memref<!tpu.dma_semaphore, #tpu.memory_space<semaphore_mem>>) {add = true}
    %scan3A_161 = arith.constant 0 : i32
    %scan3A_162 = arith.constant 0 : i32
    %scan3A_163 = arith.constant 32 : i32
    %scan3A_164 = arith.addi %scan3A_162, %scan3A_163 : i32
    %scan3A_165 = arith.constant 1 : i32
    %scan3A_166 = scf.for %scan3A_398 = %scan3A_162 to %scan3A_164 step %scan3A_165 iter_args(%scan3A_399 = %scan3A_161) -> (i32)  : i32 {
      %mul3A_400 = arith.constant 16 : i32
      %mul3A_401 = arith.muli %scan3A_398, %mul3A_400 : i32
      %mul3A_402 = arith.constant 16 : i32
      %mul3A_403 = arith.muli %scan3A_398, %mul3A_402 : i32
      %add3A_404 = arith.constant 5120 : i32
      %add3A_405 = arith.addi %add3A_404, %mul3A_403 : i32
      %get3A = arith.index_cast %add3A_405 : i32 to index
      %get3A_406 = tpu.vector_load %arg5[%get3A] {strides = array<i32>} : memref<13312xi32, #tpu.memory_space<vmem>>, vector<16xi32>,
      %get3A_407 = vector.shape_cast %get3A_406 : vector<16xi32> to vector<16xi32>
      %add3A_408 = arith.constant 1000000 : i32
      %add3A_409 = vector.broadcast %add3A_408 : i32 to vector<16xi32>
      %add3A_410 = arith.addi %get3A_407, %add3A_409 : vector<16xi32>
      %swap3A = arith.index_cast %mul3A_401 : i32 to index
      %swap3A_411 = tpu.vector_load %arg16[%swap3A] {strides = array<i32>} : memref<512xi32, #tpu.memory_space<vmem>>, vector<16xi32>,
      %swap3A_412 = vector.shape_cast %swap3A_411 : vector<16xi32> to vector<16xi32>
      %swap3A_413 = vector.shape_cast %add3A_410 : vector<16xi32> to vector<16xi32>
      tpu.vector_store %arg16[%swap3A], %swap3A_413 {strides = array<i32>} : memref<512xi32, #tpu.memory_space<vmem>>, vector<16xi32>,
      %scan3A_414 = arith.constant 0 : i32
      scf.yield %scan3A_414 : i32
    }
    %scan3A_167 = arith.constant 32 : i32
    %dma_start3A_168 = arith.constant 0 : i32
    %dma_start3A_169 = arith.constant 0 : i32
    %dma_start3A_170 = tpu.memref_slice %arg3[%dma_start3A_168, %dma_start3A_169] : memref<2600000x64xf32, #tpu.memory_space<hbm>> -> memref<2600000x64xf32, #tpu.memory_space<hbm>>
    tpu.enqueue_indirect_dma source(%dma_start3A_170 : memref<2600000x64xf32, #tpu.memory_space<hbm>>) target(%arg32 : memref<512x64xf32, #tpu.memory_space<vmem>>) offsets(%arg16 : memref<512xi32, #tpu.memory_space<vmem>>) semaphore(%arg33 : memref<!tpu.dma_semaphore, #tpu.memory_space<semaphore_mem>>) {add = true}
    %scan3A_171 = arith.constant 0 : i32
    %scan3A_172 = arith.constant 0 : i32
    %scan3A_173 = arith.constant 32 : i32
    %scan3A_174 = arith.addi %scan3A_172, %scan3A_173 : i32
    %scan3A_175 = arith.constant 1 : i32
    %scan3A_176 = scf.for %scan3A_398 = %scan3A_172 to %scan3A_174 step %scan3A_175 iter_args(%scan3A_399 = %scan3A_171) -> (i32)  : i32 {
      %mul3A_400 = arith.constant 16 : i32
      %mul3A_401 = arith.muli %scan3A_398, %mul3A_400 : i32
      %mul3A_402 = arith.constant 16 : i32
      %mul3A_403 = arith.muli %scan3A_398, %mul3A_402 : i32
      %add3A_404 = arith.constant 5632 : i32
      %add3A_405 = arith.addi %add3A_404, %mul3A_403 : i32
      %get3A = arith.index_cast %add3A_405 : i32 to index
      %get3A_406 = tpu.vector_load %arg5[%get3A] {strides = array<i32>} : memref<13312xi32, #tpu.memory_space<vmem>>, vector<16xi32>,
      %get3A_407 = vector.shape_cast %get3A_406 : vector<16xi32> to vector<16xi32>
      %add3A_408 = arith.constant 1100000 : i32
      %add3A_409 = vector.broadcast %add3A_408 : i32 to vector<16xi32>
      %add3A_410 = arith.addi %get3A_407, %add3A_409 : vector<16xi32>
      %swap3A = arith.index_cast %mul3A_401 : i32 to index
      %swap3A_411 = tpu.vector_load %arg17[%swap3A] {strides = array<i32>} : memref<512xi32, #tpu.memory_space<vmem>>, vector<16xi32>,
      %swap3A_412 = vector.shape_cast %swap3A_411 : vector<16xi32> to vector<16xi32>
      %swap3A_413 = vector.shape_cast %add3A_410 : vector<16xi32> to vector<16xi32>
      tpu.vector_store %arg17[%swap3A], %swap3A_413 {strides = array<i32>} : memref<512xi32, #tpu.memory_space<vmem>>, vector<16xi32>,
      %scan3A_414 = arith.constant 0 : i32
      scf.yield %scan3A_414 : i32
    }
    %scan3A_177 = arith.constant 32 : i32
    %dma_start3A_178 = arith.constant 0 : i32
    %dma_start3A_179 = arith.constant 0 : i32
    %dma_start3A_180 = tpu.memref_slice %arg3[%dma_start3A_178, %dma_start3A_179] : memref<2600000x64xf32, #tpu.memory_space<hbm>> -> memref<2600000x64xf32, #tpu.memory_space<hbm>>
    tpu.enqueue_indirect_dma source(%dma_start3A_180 : memref<2600000x64xf32, #tpu.memory_space<hbm>>) target(%arg32 : memref<512x64xf32, #tpu.memory_space<vmem>>) offsets(%arg17 : memref<512xi32, #tpu.memory_space<vmem>>) semaphore(%arg33 : memref<!tpu.dma_semaphore, #tpu.memory_space<semaphore_mem>>) {add = true}
    %scan3A_181 = arith.constant 0 : i32
    %scan3A_182 = arith.constant 0 : i32
    %scan3A_183 = arith.constant 32 : i32
    %scan3A_184 = arith.addi %scan3A_182, %scan3A_183 : i32
    %scan3A_185 = arith.constant 1 : i32
    %scan3A_186 = scf.for %scan3A_398 = %scan3A_182 to %scan3A_184 step %scan3A_185 iter_args(%scan3A_399 = %scan3A_181) -> (i32)  : i32 {
      %mul3A_400 = arith.constant 16 : i32
      %mul3A_401 = arith.muli %scan3A_398, %mul3A_400 : i32
      %mul3A_402 = arith.constant 16 : i32
      %mul3A_403 = arith.muli %scan3A_398, %mul3A_402 : i32
      %add3A_404 = arith.constant 6144 : i32
      %add3A_405 = arith.addi %add3A_404, %mul3A_403 : i32
      %get3A = arith.index_cast %add3A_405 : i32 to index
      %get3A_406 = tpu.vector_load %arg5[%get3A] {strides = array<i32>} : memref<13312xi32, #tpu.memory_space<vmem>>, vector<16xi32>,
      %get3A_407 = vector.shape_cast %get3A_406 : vector<16xi32> to vector<16xi32>
      %add3A_408 = arith.constant 1200000 : i32
      %add3A_409 = vector.broadcast %add3A_408 : i32 to vector<16xi32>
      %add3A_410 = arith.addi %get3A_407, %add3A_409 : vector<16xi32>
      %swap3A = arith.index_cast %mul3A_401 : i32 to index
      %swap3A_411 = tpu.vector_load %arg18[%swap3A] {strides = array<i32>} : memref<512xi32, #tpu.memory_space<vmem>>, vector<16xi32>,
      %swap3A_412 = vector.shape_cast %swap3A_411 : vector<16xi32> to vector<16xi32>
      %swap3A_413 = vector.shape_cast %add3A_410 : vector<16xi32> to vector<16xi32>
      tpu.vector_store %arg18[%swap3A], %swap3A_413 {strides = array<i32>} : memref<512xi32, #tpu.memory_space<vmem>>, vector<16xi32>,
      %scan3A_414 = arith.constant 0 : i32
      scf.yield %scan3A_414 : i32
    }
    %scan3A_187 = arith.constant 32 : i32
    %dma_start3A_188 = arith.constant 0 : i32
    %dma_start3A_189 = arith.constant 0 : i32
    %dma_start3A_190 = tpu.memref_slice %arg3[%dma_start3A_188, %dma_start3A_189] : memref<2600000x64xf32, #tpu.memory_space<hbm>> -> memref<2600000x64xf32, #tpu.memory_space<hbm>>
    tpu.enqueue_indirect_dma source(%dma_start3A_190 : memref<2600000x64xf32, #tpu.memory_space<hbm>>) target(%arg32 : memref<512x64xf32, #tpu.memory_space<vmem>>) offsets(%arg18 : memref<512xi32, #tpu.memory_space<vmem>>) semaphore(%arg33 : memref<!tpu.dma_semaphore, #tpu.memory_space<semaphore_mem>>) {add = true}
    %scan3A_191 = arith.constant 0 : i32
    %scan3A_192 = arith.constant 0 : i32
    %scan3A_193 = arith.constant 32 : i32
    %scan3A_194 = arith.addi %scan3A_192, %scan3A_193 : i32
    %scan3A_195 = arith.constant 1 : i32
    %scan3A_196 = scf.for %scan3A_398 = %scan3A_192 to %scan3A_194 step %scan3A_195 iter_args(%scan3A_399 = %scan3A_191) -> (i32)  : i32 {
      %mul3A_400 = arith.constant 16 : i32
      %mul3A_401 = arith.muli %scan3A_398, %mul3A_400 : i32
      %mul3A_402 = arith.constant 16 : i32
      %mul3A_403 = arith.muli %scan3A_398, %mul3A_402 : i32
      %add3A_404 = arith.constant 6656 : i32
      %add3A_405 = arith.addi %add3A_404, %mul3A_403 : i32
      %get3A = arith.index_cast %add3A_405 : i32 to index
      %get3A_406 = tpu.vector_load %arg5[%get3A] {strides = array<i32>} : memref<13312xi32, #tpu.memory_space<vmem>>, vector<16xi32>,
      %get3A_407 = vector.shape_cast %get3A_406 : vector<16xi32> to vector<16xi32>
      %add3A_408 = arith.constant 1300000 : i32
      %add3A_409 = vector.broadcast %add3A_408 : i32 to vector<16xi32>
      %add3A_410 = arith.addi %get3A_407, %add3A_409 : vector<16xi32>
      %swap3A = arith.index_cast %mul3A_401 : i32 to index
      %swap3A_411 = tpu.vector_load %arg19[%swap3A] {strides = array<i32>} : memref<512xi32, #tpu.memory_space<vmem>>, vector<16xi32>,
      %swap3A_412 = vector.shape_cast %swap3A_411 : vector<16xi32> to vector<16xi32>
      %swap3A_413 = vector.shape_cast %add3A_410 : vector<16xi32> to vector<16xi32>
      tpu.vector_store %arg19[%swap3A], %swap3A_413 {strides = array<i32>} : memref<512xi32, #tpu.memory_space<vmem>>, vector<16xi32>,
      %scan3A_414 = arith.constant 0 : i32
      scf.yield %scan3A_414 : i32
    }
    %scan3A_197 = arith.constant 32 : i32
    %dma_start3A_198 = arith.constant 0 : i32
    %dma_start3A_199 = arith.constant 0 : i32
    %dma_start3A_200 = tpu.memref_slice %arg3[%dma_start3A_198, %dma_start3A_199] : memref<2600000x64xf32, #tpu.memory_space<hbm>> -> memref<2600000x64xf32, #tpu.memory_space<hbm>>
    tpu.enqueue_indirect_dma source(%dma_start3A_200 : memref<2600000x64xf32, #tpu.memory_space<hbm>>) target(%arg32 : memref<512x64xf32, #tpu.memory_space<vmem>>) offsets(%arg19 : memref<512xi32, #tpu.memory_space<vmem>>) semaphore(%arg33 : memref<!tpu.dma_semaphore, #tpu.memory_space<semaphore_mem>>) {add = true}
    %scan3A_201 = arith.constant 0 : i32
    %scan3A_202 = arith.constant 0 : i32
    %scan3A_203 = arith.constant 32 : i32
    %scan3A_204 = arith.addi %scan3A_202, %scan3A_203 : i32
    %scan3A_205 = arith.constant 1 : i32
    %scan3A_206 = scf.for %scan3A_398 = %scan3A_202 to %scan3A_204 step %scan3A_205 iter_args(%scan3A_399 = %scan3A_201) -> (i32)  : i32 {
      %mul3A_400 = arith.constant 16 : i32
      %mul3A_401 = arith.muli %scan3A_398, %mul3A_400 : i32
      %mul3A_402 = arith.constant 16 : i32
      %mul3A_403 = arith.muli %scan3A_398, %mul3A_402 : i32
      %add3A_404 = arith.constant 7168 : i32
      %add3A_405 = arith.addi %add3A_404, %mul3A_403 : i32
      %get3A = arith.index_cast %add3A_405 : i32 to index
      %get3A_406 = tpu.vector_load %arg5[%get3A] {strides = array<i32>} : memref<13312xi32, #tpu.memory_space<vmem>>, vector<16xi32>,
      %get3A_407 = vector.shape_cast %get3A_406 : vector<16xi32> to vector<16xi32>
      %add3A_408 = arith.constant 1400000 : i32
      %add3A_409 = vector.broadcast %add3A_408 : i32 to vector<16xi32>
      %add3A_410 = arith.addi %get3A_407, %add3A_409 : vector<16xi32>
      %swap3A = arith.index_cast %mul3A_401 : i32 to index
      %swap3A_411 = tpu.vector_load %arg20[%swap3A] {strides = array<i32>} : memref<512xi32, #tpu.memory_space<vmem>>, vector<16xi32>,
      %swap3A_412 = vector.shape_cast %swap3A_411 : vector<16xi32> to vector<16xi32>
      %swap3A_413 = vector.shape_cast %add3A_410 : vector<16xi32> to vector<16xi32>
      tpu.vector_store %arg20[%swap3A], %swap3A_413 {strides = array<i32>} : memref<512xi32, #tpu.memory_space<vmem>>, vector<16xi32>,
      %scan3A_414 = arith.constant 0 : i32
      scf.yield %scan3A_414 : i32
    }
    %scan3A_207 = arith.constant 32 : i32
    %dma_start3A_208 = arith.constant 0 : i32
    %dma_start3A_209 = arith.constant 0 : i32
    %dma_start3A_210 = tpu.memref_slice %arg3[%dma_start3A_208, %dma_start3A_209] : memref<2600000x64xf32, #tpu.memory_space<hbm>> -> memref<2600000x64xf32, #tpu.memory_space<hbm>>
    tpu.enqueue_indirect_dma source(%dma_start3A_210 : memref<2600000x64xf32, #tpu.memory_space<hbm>>) target(%arg32 : memref<512x64xf32, #tpu.memory_space<vmem>>) offsets(%arg20 : memref<512xi32, #tpu.memory_space<vmem>>) semaphore(%arg33 : memref<!tpu.dma_semaphore, #tpu.memory_space<semaphore_mem>>) {add = true}
    %scan3A_211 = arith.constant 0 : i32
    %scan3A_212 = arith.constant 0 : i32
    %scan3A_213 = arith.constant 32 : i32
    %scan3A_214 = arith.addi %scan3A_212, %scan3A_213 : i32
    %scan3A_215 = arith.constant 1 : i32
    %scan3A_216 = scf.for %scan3A_398 = %scan3A_212 to %scan3A_214 step %scan3A_215 iter_args(%scan3A_399 = %scan3A_211) -> (i32)  : i32 {
      %mul3A_400 = arith.constant 16 : i32
      %mul3A_401 = arith.muli %scan3A_398, %mul3A_400 : i32
      %mul3A_402 = arith.constant 16 : i32
      %mul3A_403 = arith.muli %scan3A_398, %mul3A_402 : i32
      %add3A_404 = arith.constant 7680 : i32
      %add3A_405 = arith.addi %add3A_404, %mul3A_403 : i32
      %get3A = arith.index_cast %add3A_405 : i32 to index
      %get3A_406 = tpu.vector_load %arg5[%get3A] {strides = array<i32>} : memref<13312xi32, #tpu.memory_space<vmem>>, vector<16xi32>,
      %get3A_407 = vector.shape_cast %get3A_406 : vector<16xi32> to vector<16xi32>
      %add3A_408 = arith.constant 1500000 : i32
      %add3A_409 = vector.broadcast %add3A_408 : i32 to vector<16xi32>
      %add3A_410 = arith.addi %get3A_407, %add3A_409 : vector<16xi32>
      %swap3A = arith.index_cast %mul3A_401 : i32 to index
      %swap3A_411 = tpu.vector_load %arg21[%swap3A] {strides = array<i32>} : memref<512xi32, #tpu.memory_space<vmem>>, vector<16xi32>,
      %swap3A_412 = vector.shape_cast %swap3A_411 : vector<16xi32> to vector<16xi32>
      %swap3A_413 = vector.shape_cast %add3A_410 : vector<16xi32> to vector<16xi32>
      tpu.vector_store %arg21[%swap3A], %swap3A_413 {strides = array<i32>} : memref<512xi32, #tpu.memory_space<vmem>>, vector<16xi32>,
      %scan3A_414 = arith.constant 0 : i32
      scf.yield %scan3A_414 : i32
    }
    %scan3A_217 = arith.constant 32 : i32
    %dma_start3A_218 = arith.constant 0 : i32
    %dma_start3A_219 = arith.constant 0 : i32
    %dma_start3A_220 = tpu.memref_slice %arg3[%dma_start3A_218, %dma_start3A_219] : memref<2600000x64xf32, #tpu.memory_space<hbm>> -> memref<2600000x64xf32, #tpu.memory_space<hbm>>
    tpu.enqueue_indirect_dma source(%dma_start3A_220 : memref<2600000x64xf32, #tpu.memory_space<hbm>>) target(%arg32 : memref<512x64xf32, #tpu.memory_space<vmem>>) offsets(%arg21 : memref<512xi32, #tpu.memory_space<vmem>>) semaphore(%arg33 : memref<!tpu.dma_semaphore, #tpu.memory_space<semaphore_mem>>) {add = true}
    %scan3A_221 = arith.constant 0 : i32
    %scan3A_222 = arith.constant 0 : i32
    %scan3A_223 = arith.constant 32 : i32
    %scan3A_224 = arith.addi %scan3A_222, %scan3A_223 : i32
    %scan3A_225 = arith.constant 1 : i32
    %scan3A_226 = scf.for %scan3A_398 = %scan3A_222 to %scan3A_224 step %scan3A_225 iter_args(%scan3A_399 = %scan3A_221) -> (i32)  : i32 {
      %mul3A_400 = arith.constant 16 : i32
      %mul3A_401 = arith.muli %scan3A_398, %mul3A_400 : i32
      %mul3A_402 = arith.constant 16 : i32
      %mul3A_403 = arith.muli %scan3A_398, %mul3A_402 : i32
      %add3A_404 = arith.constant 8192 : i32
      %add3A_405 = arith.addi %add3A_404, %mul3A_403 : i32
      %get3A = arith.index_cast %add3A_405 : i32 to index
      %get3A_406 = tpu.vector_load %arg5[%get3A] {strides = array<i32>} : memref<13312xi32, #tpu.memory_space<vmem>>, vector<16xi32>,
      %get3A_407 = vector.shape_cast %get3A_406 : vector<16xi32> to vector<16xi32>
      %add3A_408 = arith.constant 1600000 : i32
      %add3A_409 = vector.broadcast %add3A_408 : i32 to vector<16xi32>
      %add3A_410 = arith.addi %get3A_407, %add3A_409 : vector<16xi32>
      %swap3A = arith.index_cast %mul3A_401 : i32 to index
      %swap3A_411 = tpu.vector_load %arg22[%swap3A] {strides = array<i32>} : memref<512xi32, #tpu.memory_space<vmem>>, vector<16xi32>,
      %swap3A_412 = vector.shape_cast %swap3A_411 : vector<16xi32> to vector<16xi32>
      %swap3A_413 = vector.shape_cast %add3A_410 : vector<16xi32> to vector<16xi32>
      tpu.vector_store %arg22[%swap3A], %swap3A_413 {strides = array<i32>} : memref<512xi32, #tpu.memory_space<vmem>>, vector<16xi32>,
      %scan3A_414 = arith.constant 0 : i32
      scf.yield %scan3A_414 : i32
    }
    %scan3A_227 = arith.constant 32 : i32
    %dma_start3A_228 = arith.constant 0 : i32
    %dma_start3A_229 = arith.constant 0 : i32
    %dma_start3A_230 = tpu.memref_slice %arg3[%dma_start3A_228, %dma_start3A_229] : memref<2600000x64xf32, #tpu.memory_space<hbm>> -> memref<2600000x64xf32, #tpu.memory_space<hbm>>
    tpu.enqueue_indirect_dma source(%dma_start3A_230 : memref<2600000x64xf32, #tpu.memory_space<hbm>>) target(%arg32 : memref<512x64xf32, #tpu.memory_space<vmem>>) offsets(%arg22 : memref<512xi32, #tpu.memory_space<vmem>>) semaphore(%arg33 : memref<!tpu.dma_semaphore, #tpu.memory_space<semaphore_mem>>) {add = true}
    %scan3A_231 = arith.constant 0 : i32
    %scan3A_232 = arith.constant 0 : i32
    %scan3A_233 = arith.constant 32 : i32
    %scan3A_234 = arith.addi %scan3A_232, %scan3A_233 : i32
    %scan3A_235 = arith.constant 1 : i32
    %scan3A_236 = scf.for %scan3A_398 = %scan3A_232 to %scan3A_234 step %scan3A_235 iter_args(%scan3A_399 = %scan3A_231) -> (i32)  : i32 {
      %mul3A_400 = arith.constant 16 : i32
      %mul3A_401 = arith.muli %scan3A_398, %mul3A_400 : i32
      %mul3A_402 = arith.constant 16 : i32
      %mul3A_403 = arith.muli %scan3A_398, %mul3A_402 : i32
      %add3A_404 = arith.constant 8704 : i32
      %add3A_405 = arith.addi %add3A_404, %mul3A_403 : i32
      %get3A = arith.index_cast %add3A_405 : i32 to index
      %get3A_406 = tpu.vector_load %arg5[%get3A] {strides = array<i32>} : memref<13312xi32, #tpu.memory_space<vmem>>, vector<16xi32>,
      %get3A_407 = vector.shape_cast %get3A_406 : vector<16xi32> to vector<16xi32>
      %add3A_408 = arith.constant 1700000 : i32
      %add3A_409 = vector.broadcast %add3A_408 : i32 to vector<16xi32>
      %add3A_410 = arith.addi %get3A_407, %add3A_409 : vector<16xi32>
      %swap3A = arith.index_cast %mul3A_401 : i32 to index
      %swap3A_411 = tpu.vector_load %arg23[%swap3A] {strides = array<i32>} : memref<512xi32, #tpu.memory_space<vmem>>, vector<16xi32>,
      %swap3A_412 = vector.shape_cast %swap3A_411 : vector<16xi32> to vector<16xi32>
      %swap3A_413 = vector.shape_cast %add3A_410 : vector<16xi32> to vector<16xi32>
      tpu.vector_store %arg23[%swap3A], %swap3A_413 {strides = array<i32>} : memref<512xi32, #tpu.memory_space<vmem>>, vector<16xi32>,
      %scan3A_414 = arith.constant 0 : i32
      scf.yield %scan3A_414 : i32
    }
    %scan3A_237 = arith.constant 32 : i32
    %dma_start3A_238 = arith.constant 0 : i32
    %dma_start3A_239 = arith.constant 0 : i32
    %dma_start3A_240 = tpu.memref_slice %arg3[%dma_start3A_238, %dma_start3A_239] : memref<2600000x64xf32, #tpu.memory_space<hbm>> -> memref<2600000x64xf32, #tpu.memory_space<hbm>>
    tpu.enqueue_indirect_dma source(%dma_start3A_240 : memref<2600000x64xf32, #tpu.memory_space<hbm>>) target(%arg32 : memref<512x64xf32, #tpu.memory_space<vmem>>) offsets(%arg23 : memref<512xi32, #tpu.memory_space<vmem>>) semaphore(%arg33 : memref<!tpu.dma_semaphore, #tpu.memory_space<semaphore_mem>>) {add = true}
    %scan3A_241 = arith.constant 0 : i32
    %scan3A_242 = arith.constant 0 : i32
    %scan3A_243 = arith.constant 32 : i32
    %scan3A_244 = arith.addi %scan3A_242, %scan3A_243 : i32
    %scan3A_245 = arith.constant 1 : i32
    %scan3A_246 = scf.for %scan3A_398 = %scan3A_242 to %scan3A_244 step %scan3A_245 iter_args(%scan3A_399 = %scan3A_241) -> (i32)  : i32 {
      %mul3A_400 = arith.constant 16 : i32
      %mul3A_401 = arith.muli %scan3A_398, %mul3A_400 : i32
      %mul3A_402 = arith.constant 16 : i32
      %mul3A_403 = arith.muli %scan3A_398, %mul3A_402 : i32
      %add3A_404 = arith.constant 9216 : i32
      %add3A_405 = arith.addi %add3A_404, %mul3A_403 : i32
      %get3A = arith.index_cast %add3A_405 : i32 to index
      %get3A_406 = tpu.vector_load %arg5[%get3A] {strides = array<i32>} : memref<13312xi32, #tpu.memory_space<vmem>>, vector<16xi32>,
      %get3A_407 = vector.shape_cast %get3A_406 : vector<16xi32> to vector<16xi32>
      %add3A_408 = arith.constant 1800000 : i32
      %add3A_409 = vector.broadcast %add3A_408 : i32 to vector<16xi32>
      %add3A_410 = arith.addi %get3A_407, %add3A_409 : vector<16xi32>
      %swap3A = arith.index_cast %mul3A_401 : i32 to index
      %swap3A_411 = tpu.vector_load %arg24[%swap3A] {strides = array<i32>} : memref<512xi32, #tpu.memory_space<vmem>>, vector<16xi32>,
      %swap3A_412 = vector.shape_cast %swap3A_411 : vector<16xi32> to vector<16xi32>
      %swap3A_413 = vector.shape_cast %add3A_410 : vector<16xi32> to vector<16xi32>
      tpu.vector_store %arg24[%swap3A], %swap3A_413 {strides = array<i32>} : memref<512xi32, #tpu.memory_space<vmem>>, vector<16xi32>,
      %scan3A_414 = arith.constant 0 : i32
      scf.yield %scan3A_414 : i32
    }
    %scan3A_247 = arith.constant 32 : i32
    %dma_start3A_248 = arith.constant 0 : i32
    %dma_start3A_249 = arith.constant 0 : i32
    %dma_start3A_250 = tpu.memref_slice %arg3[%dma_start3A_248, %dma_start3A_249] : memref<2600000x64xf32, #tpu.memory_space<hbm>> -> memref<2600000x64xf32, #tpu.memory_space<hbm>>
    tpu.enqueue_indirect_dma source(%dma_start3A_250 : memref<2600000x64xf32, #tpu.memory_space<hbm>>) target(%arg32 : memref<512x64xf32, #tpu.memory_space<vmem>>) offsets(%arg24 : memref<512xi32, #tpu.memory_space<vmem>>) semaphore(%arg33 : memref<!tpu.dma_semaphore, #tpu.memory_space<semaphore_mem>>) {add = true}
    %scan3A_251 = arith.constant 0 : i32
    %scan3A_252 = arith.constant 0 : i32
    %scan3A_253 = arith.constant 32 : i32
    %scan3A_254 = arith.addi %scan3A_252, %scan3A_253 : i32
    %scan3A_255 = arith.constant 1 : i32
    %scan3A_256 = scf.for %scan3A_398 = %scan3A_252 to %scan3A_254 step %scan3A_255 iter_args(%scan3A_399 = %scan3A_251) -> (i32)  : i32 {
      %mul3A_400 = arith.constant 16 : i32
      %mul3A_401 = arith.muli %scan3A_398, %mul3A_400 : i32
      %mul3A_402 = arith.constant 16 : i32
      %mul3A_403 = arith.muli %scan3A_398, %mul3A_402 : i32
      %add3A_404 = arith.constant 9728 : i32
      %add3A_405 = arith.addi %add3A_404, %mul3A_403 : i32
      %get3A = arith.index_cast %add3A_405 : i32 to index
      %get3A_406 = tpu.vector_load %arg5[%get3A] {strides = array<i32>} : memref<13312xi32, #tpu.memory_space<vmem>>, vector<16xi32>,
      %get3A_407 = vector.shape_cast %get3A_406 : vector<16xi32> to vector<16xi32>
      %add3A_408 = arith.constant 1900000 : i32
      %add3A_409 = vector.broadcast %add3A_408 : i32 to vector<16xi32>
      %add3A_410 = arith.addi %get3A_407, %add3A_409 : vector<16xi32>
      %swap3A = arith.index_cast %mul3A_401 : i32 to index
      %swap3A_411 = tpu.vector_load %arg25[%swap3A] {strides = array<i32>} : memref<512xi32, #tpu.memory_space<vmem>>, vector<16xi32>,
      %swap3A_412 = vector.shape_cast %swap3A_411 : vector<16xi32> to vector<16xi32>
      %swap3A_413 = vector.shape_cast %add3A_410 : vector<16xi32> to vector<16xi32>
      tpu.vector_store %arg25[%swap3A], %swap3A_413 {strides = array<i32>} : memref<512xi32, #tpu.memory_space<vmem>>, vector<16xi32>,
      %scan3A_414 = arith.constant 0 : i32
      scf.yield %scan3A_414 : i32
    }
    %scan3A_257 = arith.constant 32 : i32
    %dma_start3A_258 = arith.constant 0 : i32
    %dma_start3A_259 = arith.constant 0 : i32
    %dma_start3A_260 = tpu.memref_slice %arg3[%dma_start3A_258, %dma_start3A_259] : memref<2600000x64xf32, #tpu.memory_space<hbm>> -> memref<2600000x64xf32, #tpu.memory_space<hbm>>
    tpu.enqueue_indirect_dma source(%dma_start3A_260 : memref<2600000x64xf32, #tpu.memory_space<hbm>>) target(%arg32 : memref<512x64xf32, #tpu.memory_space<vmem>>) offsets(%arg25 : memref<512xi32, #tpu.memory_space<vmem>>) semaphore(%arg33 : memref<!tpu.dma_semaphore, #tpu.memory_space<semaphore_mem>>) {add = true}
    %scan3A_261 = arith.constant 0 : i32
    %scan3A_262 = arith.constant 0 : i32
    %scan3A_263 = arith.constant 32 : i32
    %scan3A_264 = arith.addi %scan3A_262, %scan3A_263 : i32
    %scan3A_265 = arith.constant 1 : i32
    %scan3A_266 = scf.for %scan3A_398 = %scan3A_262 to %scan3A_264 step %scan3A_265 iter_args(%scan3A_399 = %scan3A_261) -> (i32)  : i32 {
      %mul3A_400 = arith.constant 16 : i32
      %mul3A_401 = arith.muli %scan3A_398, %mul3A_400 : i32
      %mul3A_402 = arith.constant 16 : i32
      %mul3A_403 = arith.muli %scan3A_398, %mul3A_402 : i32
      %add3A_404 = arith.constant 10240 : i32
      %add3A_405 = arith.addi %add3A_404, %mul3A_403 : i32
      %get3A = arith.index_cast %add3A_405 : i32 to index
      %get3A_406 = tpu.vector_load %arg5[%get3A] {strides = array<i32>} : memref<13312xi32, #tpu.memory_space<vmem>>, vector<16xi32>,
      %get3A_407 = vector.shape_cast %get3A_406 : vector<16xi32> to vector<16xi32>
      %add3A_408 = arith.constant 2000000 : i32
      %add3A_409 = vector.broadcast %add3A_408 : i32 to vector<16xi32>
      %add3A_410 = arith.addi %get3A_407, %add3A_409 : vector<16xi32>
      %swap3A = arith.index_cast %mul3A_401 : i32 to index
      %swap3A_411 = tpu.vector_load %arg26[%swap3A] {strides = array<i32>} : memref<512xi32, #tpu.memory_space<vmem>>, vector<16xi32>,
      %swap3A_412 = vector.shape_cast %swap3A_411 : vector<16xi32> to vector<16xi32>
      %swap3A_413 = vector.shape_cast %add3A_410 : vector<16xi32> to vector<16xi32>
      tpu.vector_store %arg26[%swap3A], %swap3A_413 {strides = array<i32>} : memref<512xi32, #tpu.memory_space<vmem>>, vector<16xi32>,
      %scan3A_414 = arith.constant 0 : i32
      scf.yield %scan3A_414 : i32
    }
    %scan3A_267 = arith.constant 32 : i32
    %dma_start3A_268 = arith.constant 0 : i32
    %dma_start3A_269 = arith.constant 0 : i32
    %dma_start3A_270 = tpu.memref_slice %arg3[%dma_start3A_268, %dma_start3A_269] : memref<2600000x64xf32, #tpu.memory_space<hbm>> -> memref<2600000x64xf32, #tpu.memory_space<hbm>>
    tpu.enqueue_indirect_dma source(%dma_start3A_270 : memref<2600000x64xf32, #tpu.memory_space<hbm>>) target(%arg32 : memref<512x64xf32, #tpu.memory_space<vmem>>) offsets(%arg26 : memref<512xi32, #tpu.memory_space<vmem>>) semaphore(%arg33 : memref<!tpu.dma_semaphore, #tpu.memory_space<semaphore_mem>>) {add = true}
    %scan3A_271 = arith.constant 0 : i32
    %scan3A_272 = arith.constant 0 : i32
    %scan3A_273 = arith.constant 32 : i32
    %scan3A_274 = arith.addi %scan3A_272, %scan3A_273 : i32
    %scan3A_275 = arith.constant 1 : i32
    %scan3A_276 = scf.for %scan3A_398 = %scan3A_272 to %scan3A_274 step %scan3A_275 iter_args(%scan3A_399 = %scan3A_271) -> (i32)  : i32 {
      %mul3A_400 = arith.constant 16 : i32
      %mul3A_401 = arith.muli %scan3A_398, %mul3A_400 : i32
      %mul3A_402 = arith.constant 16 : i32
      %mul3A_403 = arith.muli %scan3A_398, %mul3A_402 : i32
      %add3A_404 = arith.constant 10752 : i32
      %add3A_405 = arith.addi %add3A_404, %mul3A_403 : i32
      %get3A = arith.index_cast %add3A_405 : i32 to index
      %get3A_406 = tpu.vector_load %arg5[%get3A] {strides = array<i32>} : memref<13312xi32, #tpu.memory_space<vmem>>, vector<16xi32>,
      %get3A_407 = vector.shape_cast %get3A_406 : vector<16xi32> to vector<16xi32>
      %add3A_408 = arith.constant 2100000 : i32
      %add3A_409 = vector.broadcast %add3A_408 : i32 to vector<16xi32>
      %add3A_410 = arith.addi %get3A_407, %add3A_409 : vector<16xi32>
      %swap3A = arith.index_cast %mul3A_401 : i32 to index
      %swap3A_411 = tpu.vector_load %arg27[%swap3A] {strides = array<i32>} : memref<512xi32, #tpu.memory_space<vmem>>, vector<16xi32>,
      %swap3A_412 = vector.shape_cast %swap3A_411 : vector<16xi32> to vector<16xi32>
      %swap3A_413 = vector.shape_cast %add3A_410 : vector<16xi32> to vector<16xi32>
      tpu.vector_store %arg27[%swap3A], %swap3A_413 {strides = array<i32>} : memref<512xi32, #tpu.memory_space<vmem>>, vector<16xi32>,
      %scan3A_414 = arith.constant 0 : i32
      scf.yield %scan3A_414 : i32
    }
    %scan3A_277 = arith.constant 32 : i32
    %dma_start3A_278 = arith.constant 0 : i32
    %dma_start3A_279 = arith.constant 0 : i32
    %dma_start3A_280 = tpu.memref_slice %arg3[%dma_start3A_278, %dma_start3A_279] : memref<2600000x64xf32, #tpu.memory_space<hbm>> -> memref<2600000x64xf32, #tpu.memory_space<hbm>>
    tpu.enqueue_indirect_dma source(%dma_start3A_280 : memref<2600000x64xf32, #tpu.memory_space<hbm>>) target(%arg32 : memref<512x64xf32, #tpu.memory_space<vmem>>) offsets(%arg27 : memref<512xi32, #tpu.memory_space<vmem>>) semaphore(%arg33 : memref<!tpu.dma_semaphore, #tpu.memory_space<semaphore_mem>>) {add = true}
    %scan3A_281 = arith.constant 0 : i32
    %scan3A_282 = arith.constant 0 : i32
    %scan3A_283 = arith.constant 32 : i32
    %scan3A_284 = arith.addi %scan3A_282, %scan3A_283 : i32
    %scan3A_285 = arith.constant 1 : i32
    %scan3A_286 = scf.for %scan3A_398 = %scan3A_282 to %scan3A_284 step %scan3A_285 iter_args(%scan3A_399 = %scan3A_281) -> (i32)  : i32 {
      %mul3A_400 = arith.constant 16 : i32
      %mul3A_401 = arith.muli %scan3A_398, %mul3A_400 : i32
      %mul3A_402 = arith.constant 16 : i32
      %mul3A_403 = arith.muli %scan3A_398, %mul3A_402 : i32
      %add3A_404 = arith.constant 11264 : i32
      %add3A_405 = arith.addi %add3A_404, %mul3A_403 : i32
      %get3A = arith.index_cast %add3A_405 : i32 to index
      %get3A_406 = tpu.vector_load %arg5[%get3A] {strides = array<i32>} : memref<13312xi32, #tpu.memory_space<vmem>>, vector<16xi32>,
      %get3A_407 = vector.shape_cast %get3A_406 : vector<16xi32> to vector<16xi32>
      %add3A_408 = arith.constant 2200000 : i32
      %add3A_409 = vector.broadcast %add3A_408 : i32 to vector<16xi32>
      %add3A_410 = arith.addi %get3A_407, %add3A_409 : vector<16xi32>
      %swap3A = arith.index_cast %mul3A_401 : i32 to index
      %swap3A_411 = tpu.vector_load %arg28[%swap3A] {strides = array<i32>} : memref<512xi32, #tpu.memory_space<vmem>>, vector<16xi32>,
      %swap3A_412 = vector.shape_cast %swap3A_411 : vector<16xi32> to vector<16xi32>
      %swap3A_413 = vector.shape_cast %add3A_410 : vector<16xi32> to vector<16xi32>
      tpu.vector_store %arg28[%swap3A], %swap3A_413 {strides = array<i32>} : memref<512xi32, #tpu.memory_space<vmem>>, vector<16xi32>,
      %scan3A_414 = arith.constant 0 : i32
      scf.yield %scan3A_414 : i32
    }
    %scan3A_287 = arith.constant 32 : i32
    %dma_start3A_288 = arith.constant 0 : i32
    %dma_start3A_289 = arith.constant 0 : i32
    %dma_start3A_290 = tpu.memref_slice %arg3[%dma_start3A_288, %dma_start3A_289] : memref<2600000x64xf32, #tpu.memory_space<hbm>> -> memref<2600000x64xf32, #tpu.memory_space<hbm>>
    tpu.enqueue_indirect_dma source(%dma_start3A_290 : memref<2600000x64xf32, #tpu.memory_space<hbm>>) target(%arg32 : memref<512x64xf32, #tpu.memory_space<vmem>>) offsets(%arg28 : memref<512xi32, #tpu.memory_space<vmem>>) semaphore(%arg33 : memref<!tpu.dma_semaphore, #tpu.memory_space<semaphore_mem>>) {add = true}
    %scan3A_291 = arith.constant 0 : i32
    %scan3A_292 = arith.constant 0 : i32
    %scan3A_293 = arith.constant 32 : i32
    %scan3A_294 = arith.addi %scan3A_292, %scan3A_293 : i32
    %scan3A_295 = arith.constant 1 : i32
    %scan3A_296 = scf.for %scan3A_398 = %scan3A_292 to %scan3A_294 step %scan3A_295 iter_args(%scan3A_399 = %scan3A_291) -> (i32)  : i32 {
      %mul3A_400 = arith.constant 16 : i32
      %mul3A_401 = arith.muli %scan3A_398, %mul3A_400 : i32
      %mul3A_402 = arith.constant 16 : i32
      %mul3A_403 = arith.muli %scan3A_398, %mul3A_402 : i32
      %add3A_404 = arith.constant 11776 : i32
      %add3A_405 = arith.addi %add3A_404, %mul3A_403 : i32
      %get3A = arith.index_cast %add3A_405 : i32 to index
      %get3A_406 = tpu.vector_load %arg5[%get3A] {strides = array<i32>} : memref<13312xi32, #tpu.memory_space<vmem>>, vector<16xi32>,
      %get3A_407 = vector.shape_cast %get3A_406 : vector<16xi32> to vector<16xi32>
      %add3A_408 = arith.constant 2300000 : i32
      %add3A_409 = vector.broadcast %add3A_408 : i32 to vector<16xi32>
      %add3A_410 = arith.addi %get3A_407, %add3A_409 : vector<16xi32>
      %swap3A = arith.index_cast %mul3A_401 : i32 to index
      %swap3A_411 = tpu.vector_load %arg29[%swap3A] {strides = array<i32>} : memref<512xi32, #tpu.memory_space<vmem>>, vector<16xi32>,
      %swap3A_412 = vector.shape_cast %swap3A_411 : vector<16xi32> to vector<16xi32>
      %swap3A_413 = vector.shape_cast %add3A_410 : vector<16xi32> to vector<16xi32>
      tpu.vector_store %arg29[%swap3A], %swap3A_413 {strides = array<i32>} : memref<512xi32, #tpu.memory_space<vmem>>, vector<16xi32>,
      %scan3A_414 = arith.constant 0 : i32
      scf.yield %scan3A_414 : i32
    }
    %scan3A_297 = arith.constant 32 : i32
    %dma_start3A_298 = arith.constant 0 : i32
    %dma_start3A_299 = arith.constant 0 : i32
    %dma_start3A_300 = tpu.memref_slice %arg3[%dma_start3A_298, %dma_start3A_299] : memref<2600000x64xf32, #tpu.memory_space<hbm>> -> memref<2600000x64xf32, #tpu.memory_space<hbm>>
    tpu.enqueue_indirect_dma source(%dma_start3A_300 : memref<2600000x64xf32, #tpu.memory_space<hbm>>) target(%arg32 : memref<512x64xf32, #tpu.memory_space<vmem>>) offsets(%arg29 : memref<512xi32, #tpu.memory_space<vmem>>) semaphore(%arg33 : memref<!tpu.dma_semaphore, #tpu.memory_space<semaphore_mem>>) {add = true}
    %scan3A_301 = arith.constant 0 : i32
    %scan3A_302 = arith.constant 0 : i32
    %scan3A_303 = arith.constant 32 : i32
    %scan3A_304 = arith.addi %scan3A_302, %scan3A_303 : i32
    %scan3A_305 = arith.constant 1 : i32
    %scan3A_306 = scf.for %scan3A_398 = %scan3A_302 to %scan3A_304 step %scan3A_305 iter_args(%scan3A_399 = %scan3A_301) -> (i32)  : i32 {
      %mul3A_400 = arith.constant 16 : i32
      %mul3A_401 = arith.muli %scan3A_398, %mul3A_400 : i32
      %mul3A_402 = arith.constant 16 : i32
      %mul3A_403 = arith.muli %scan3A_398, %mul3A_402 : i32
      %add3A_404 = arith.constant 12288 : i32
      %add3A_405 = arith.addi %add3A_404, %mul3A_403 : i32
      %get3A = arith.index_cast %add3A_405 : i32 to index
      %get3A_406 = tpu.vector_load %arg5[%get3A] {strides = array<i32>} : memref<13312xi32, #tpu.memory_space<vmem>>, vector<16xi32>,
      %get3A_407 = vector.shape_cast %get3A_406 : vector<16xi32> to vector<16xi32>
      %add3A_408 = arith.constant 2400000 : i32
      %add3A_409 = vector.broadcast %add3A_408 : i32 to vector<16xi32>
      %add3A_410 = arith.addi %get3A_407, %add3A_409 : vector<16xi32>
      %swap3A = arith.index_cast %mul3A_401 : i32 to index
      %swap3A_411 = tpu.vector_load %arg30[%swap3A] {strides = array<i32>} : memref<512xi32, #tpu.memory_space<vmem>>, vector<16xi32>,
      %swap3A_412 = vector.shape_cast %swap3A_411 : vector<16xi32> to vector<16xi32>
      %swap3A_413 = vector.shape_cast %add3A_410 : vector<16xi32> to vector<16xi32>
      tpu.vector_store %arg30[%swap3A], %swap3A_413 {strides = array<i32>} : memref<512xi32, #tpu.memory_space<vmem>>, vector<16xi32>,
      %scan3A_414 = arith.constant 0 : i32
      scf.yield %scan3A_414 : i32
    }
    %scan3A_307 = arith.constant 32 : i32
    %dma_start3A_308 = arith.constant 0 : i32
    %dma_start3A_309 = arith.constant 0 : i32
    %dma_start3A_310 = tpu.memref_slice %arg3[%dma_start3A_308, %dma_start3A_309] : memref<2600000x64xf32, #tpu.memory_space<hbm>> -> memref<2600000x64xf32, #tpu.memory_space<hbm>>
    tpu.enqueue_indirect_dma source(%dma_start3A_310 : memref<2600000x64xf32, #tpu.memory_space<hbm>>) target(%arg32 : memref<512x64xf32, #tpu.memory_space<vmem>>) offsets(%arg30 : memref<512xi32, #tpu.memory_space<vmem>>) semaphore(%arg33 : memref<!tpu.dma_semaphore, #tpu.memory_space<semaphore_mem>>) {add = true}
    %scan3A_311 = arith.constant 0 : i32
    %scan3A_312 = arith.constant 0 : i32
    %scan3A_313 = arith.constant 32 : i32
    %scan3A_314 = arith.addi %scan3A_312, %scan3A_313 : i32
    %scan3A_315 = arith.constant 1 : i32
    %scan3A_316 = scf.for %scan3A_398 = %scan3A_312 to %scan3A_314 step %scan3A_315 iter_args(%scan3A_399 = %scan3A_311) -> (i32)  : i32 {
      %mul3A_400 = arith.constant 16 : i32
      %mul3A_401 = arith.muli %scan3A_398, %mul3A_400 : i32
      %mul3A_402 = arith.constant 16 : i32
      %mul3A_403 = arith.muli %scan3A_398, %mul3A_402 : i32
      %add3A_404 = arith.constant 12800 : i32
      %add3A_405 = arith.addi %add3A_404, %mul3A_403 : i32
      %get3A = arith.index_cast %add3A_405 : i32 to index
      %get3A_406 = tpu.vector_load %arg5[%get3A] {strides = array<i32>} : memref<13312xi32, #tpu.memory_space<vmem>>, vector<16xi32>,
      %get3A_407 = vector.shape_cast %get3A_406 : vector<16xi32> to vector<16xi32>
      %add3A_408 = arith.constant 2500000 : i32
      %add3A_409 = vector.broadcast %add3A_408 : i32 to vector<16xi32>
      %add3A_410 = arith.addi %get3A_407, %add3A_409 : vector<16xi32>
      %swap3A = arith.index_cast %mul3A_401 : i32 to index
      %swap3A_411 = tpu.vector_load %arg31[%swap3A] {strides = array<i32>} : memref<512xi32, #tpu.memory_space<vmem>>, vector<16xi32>,
      %swap3A_412 = vector.shape_cast %swap3A_411 : vector<16xi32> to vector<16xi32>
      %swap3A_413 = vector.shape_cast %add3A_410 : vector<16xi32> to vector<16xi32>
      tpu.vector_store %arg31[%swap3A], %swap3A_413 {strides = array<i32>} : memref<512xi32, #tpu.memory_space<vmem>>, vector<16xi32>,
      %scan3A_414 = arith.constant 0 : i32
      scf.yield %scan3A_414 : i32
    }
    %scan3A_317 = arith.constant 32 : i32
    %dma_start3A_318 = arith.constant 0 : i32
    %dma_start3A_319 = arith.constant 0 : i32
    %dma_start3A_320 = tpu.memref_slice %arg3[%dma_start3A_318, %dma_start3A_319] : memref<2600000x64xf32, #tpu.memory_space<hbm>> -> memref<2600000x64xf32, #tpu.memory_space<hbm>>
    tpu.enqueue_indirect_dma source(%dma_start3A_320 : memref<2600000x64xf32, #tpu.memory_space<hbm>>) target(%arg32 : memref<512x64xf32, #tpu.memory_space<vmem>>) offsets(%arg31 : memref<512xi32, #tpu.memory_space<vmem>>) semaphore(%arg33 : memref<!tpu.dma_semaphore, #tpu.memory_space<semaphore_mem>>) {add = true}
    %dma_wait3A = arith.constant 0 : i32
    %dma_wait3A_321 = arith.constant 0 : i32
    %dma_wait3A_322 = tpu.memref_slice %arg3[%dma_wait3A, %dma_wait3A_321] : memref<2600000x64xf32, #tpu.memory_space<hbm>> -> memref<2600000x64xf32, #tpu.memory_space<hbm>>
    tpu.wait_indirect_dma semaphore(%arg33 : memref<!tpu.dma_semaphore, #tpu.memory_space<semaphore_mem>>) src(%dma_wait3A_322 : memref<2600000x64xf32, #tpu.memory_space<hbm>>) dst(%arg32 : memref<512x64xf32, #tpu.memory_space<vmem>>)
    %dma_wait3A_323 = arith.constant 0 : i32
    %dma_wait3A_324 = arith.constant 0 : i32
    %dma_wait3A_325 = tpu.memref_slice %arg3[%dma_wait3A_323, %dma_wait3A_324] : memref<2600000x64xf32, #tpu.memory_space<hbm>> -> memref<2600000x64xf32, #tpu.memory_space<hbm>>
    tpu.wait_indirect_dma semaphore(%arg33 : memref<!tpu.dma_semaphore, #tpu.memory_space<semaphore_mem>>) src(%dma_wait3A_325 : memref<2600000x64xf32, #tpu.memory_space<hbm>>) dst(%arg32 : memref<512x64xf32, #tpu.memory_space<vmem>>)
    %dma_wait3A_326 = arith.constant 0 : i32
    %dma_wait3A_327 = arith.constant 0 : i32
    %dma_wait3A_328 = tpu.memref_slice %arg3[%dma_wait3A_326, %dma_wait3A_327] : memref<2600000x64xf32, #tpu.memory_space<hbm>> -> memref<2600000x64xf32, #tpu.memory_space<hbm>>
    tpu.wait_indirect_dma semaphore(%arg33 : memref<!tpu.dma_semaphore, #tpu.memory_space<semaphore_mem>>) src(%dma_wait3A_328 : memref<2600000x64xf32, #tpu.memory_space<hbm>>) dst(%arg32 : memref<512x64xf32, #tpu.memory_space<vmem>>)
    %dma_wait3A_329 = arith.constant 0 : i32
    %dma_wait3A_330 = arith.constant 0 : i32
    %dma_wait3A_331 = tpu.memref_slice %arg3[%dma_wait3A_329, %dma_wait3A_330] : memref<2600000x64xf32, #tpu.memory_space<hbm>> -> memref<2600000x64xf32, #tpu.memory_space<hbm>>
    tpu.wait_indirect_dma semaphore(%arg33 : memref<!tpu.dma_semaphore, #tpu.memory_space<semaphore_mem>>) src(%dma_wait3A_331 : memref<2600000x64xf32, #tpu.memory_space<hbm>>) dst(%arg32 : memref<512x64xf32, #tpu.memory_space<vmem>>)
    %dma_wait3A_332 = arith.constant 0 : i32
    %dma_wait3A_333 = arith.constant 0 : i32
    %dma_wait3A_334 = tpu.memref_slice %arg3[%dma_wait3A_332, %dma_wait3A_333] : memref<2600000x64xf32, #tpu.memory_space<hbm>> -> memref<2600000x64xf32, #tpu.memory_space<hbm>>
    tpu.wait_indirect_dma semaphore(%arg33 : memref<!tpu.dma_semaphore, #tpu.memory_space<semaphore_mem>>) src(%dma_wait3A_334 : memref<2600000x64xf32, #tpu.memory_space<hbm>>) dst(%arg32 : memref<512x64xf32, #tpu.memory_space<vmem>>)
    %dma_wait3A_335 = arith.constant 0 : i32
    %dma_wait3A_336 = arith.constant 0 : i32
    %dma_wait3A_337 = tpu.memref_slice %arg3[%dma_wait3A_335, %dma_wait3A_336] : memref<2600000x64xf32, #tpu.memory_space<hbm>> -> memref<2600000x64xf32, #tpu.memory_space<hbm>>
    tpu.wait_indirect_dma semaphore(%arg33 : memref<!tpu.dma_semaphore, #tpu.memory_space<semaphore_mem>>) src(%dma_wait3A_337 : memref<2600000x64xf32, #tpu.memory_space<hbm>>) dst(%arg32 : memref<512x64xf32, #tpu.memory_space<vmem>>)
    %dma_wait3A_338 = arith.constant 0 : i32
    %dma_wait3A_339 = arith.constant 0 : i32
    %dma_wait3A_340 = tpu.memref_slice %arg3[%dma_wait3A_338, %dma_wait3A_339] : memref<2600000x64xf32, #tpu.memory_space<hbm>> -> memref<2600000x64xf32, #tpu.memory_space<hbm>>
    tpu.wait_indirect_dma semaphore(%arg33 : memref<!tpu.dma_semaphore, #tpu.memory_space<semaphore_mem>>) src(%dma_wait3A_340 : memref<2600000x64xf32, #tpu.memory_space<hbm>>) dst(%arg32 : memref<512x64xf32, #tpu.memory_space<vmem>>)
    %dma_wait3A_341 = arith.constant 0 : i32
    %dma_wait3A_342 = arith.constant 0 : i32
    %dma_wait3A_343 = tpu.memref_slice %arg3[%dma_wait3A_341, %dma_wait3A_342] : memref<2600000x64xf32, #tpu.memory_space<hbm>> -> memref<2600000x64xf32, #tpu.memory_space<hbm>>
    tpu.wait_indirect_dma semaphore(%arg33 : memref<!tpu.dma_semaphore, #tpu.memory_space<semaphore_mem>>) src(%dma_wait3A_343 : memref<2600000x64xf32, #tpu.memory_space<hbm>>) dst(%arg32 : memref<512x64xf32, #tpu.memory_space<vmem>>)
    %dma_wait3A_344 = arith.constant 0 : i32
    %dma_wait3A_345 = arith.constant 0 : i32
    %dma_wait3A_346 = tpu.memref_slice %arg3[%dma_wait3A_344, %dma_wait3A_345] : memref<2600000x64xf32, #tpu.memory_space<hbm>> -> memref<2600000x64xf32, #tpu.memory_space<hbm>>
    tpu.wait_indirect_dma semaphore(%arg33 : memref<!tpu.dma_semaphore, #tpu.memory_space<semaphore_mem>>) src(%dma_wait3A_346 : memref<2600000x64xf32, #tpu.memory_space<hbm>>) dst(%arg32 : memref<512x64xf32, #tpu.memory_space<vmem>>)
    %dma_wait3A_347 = arith.constant 0 : i32
    %dma_wait3A_348 = arith.constant 0 : i32
    %dma_wait3A_349 = tpu.memref_slice %arg3[%dma_wait3A_347, %dma_wait3A_348] : memref<2600000x64xf32, #tpu.memory_space<hbm>> -> memref<2600000x64xf32, #tpu.memory_space<hbm>>
    tpu.wait_indirect_dma semaphore(%arg33 : memref<!tpu.dma_semaphore, #tpu.memory_space<semaphore_mem>>) src(%dma_wait3A_349 : memref<2600000x64xf32, #tpu.memory_space<hbm>>) dst(%arg32 : memref<512x64xf32, #tpu.memory_space<vmem>>)
    %dma_wait3A_350 = arith.constant 0 : i32
    %dma_wait3A_351 = arith.constant 0 : i32
    %dma_wait3A_352 = tpu.memref_slice %arg3[%dma_wait3A_350, %dma_wait3A_351] : memref<2600000x64xf32, #tpu.memory_space<hbm>> -> memref<2600000x64xf32, #tpu.memory_space<hbm>>
    tpu.wait_indirect_dma semaphore(%arg33 : memref<!tpu.dma_semaphore, #tpu.memory_space<semaphore_mem>>) src(%dma_wait3A_352 : memref<2600000x64xf32, #tpu.memory_space<hbm>>) dst(%arg32 : memref<512x64xf32, #tpu.memory_space<vmem>>)
    %dma_wait3A_353 = arith.constant 0 : i32
    %dma_wait3A_354 = arith.constant 0 : i32
    %dma_wait3A_355 = tpu.memref_slice %arg3[%dma_wait3A_353, %dma_wait3A_354] : memref<2600000x64xf32, #tpu.memory_space<hbm>> -> memref<2600000x64xf32, #tpu.memory_space<hbm>>
    tpu.wait_indirect_dma semaphore(%arg33 : memref<!tpu.dma_semaphore, #tpu.memory_space<semaphore_mem>>) src(%dma_wait3A_355 : memref<2600000x64xf32, #tpu.memory_space<hbm>>) dst(%arg32 : memref<512x64xf32, #tpu.memory_space<vmem>>)
    %dma_wait3A_356 = arith.constant 0 : i32
    %dma_wait3A_357 = arith.constant 0 : i32
    %dma_wait3A_358 = tpu.memref_slice %arg3[%dma_wait3A_356, %dma_wait3A_357] : memref<2600000x64xf32, #tpu.memory_space<hbm>> -> memref<2600000x64xf32, #tpu.memory_space<hbm>>
    tpu.wait_indirect_dma semaphore(%arg33 : memref<!tpu.dma_semaphore, #tpu.memory_space<semaphore_mem>>) src(%dma_wait3A_358 : memref<2600000x64xf32, #tpu.memory_space<hbm>>) dst(%arg32 : memref<512x64xf32, #tpu.memory_space<vmem>>)
    %dma_wait3A_359 = arith.constant 0 : i32
    %dma_wait3A_360 = arith.constant 0 : i32
    %dma_wait3A_361 = tpu.memref_slice %arg3[%dma_wait3A_359, %dma_wait3A_360] : memref<2600000x64xf32, #tpu.memory_space<hbm>> -> memref<2600000x64xf32, #tpu.memory_space<hbm>>
    tpu.wait_indirect_dma semaphore(%arg33 : memref<!tpu.dma_semaphore, #tpu.memory_space<semaphore_mem>>) src(%dma_wait3A_361 : memref<2600000x64xf32, #tpu.memory_space<hbm>>) dst(%arg32 : memref<512x64xf32, #tpu.memory_space<vmem>>)
    %dma_wait3A_362 = arith.constant 0 : i32
    %dma_wait3A_363 = arith.constant 0 : i32
    %dma_wait3A_364 = tpu.memref_slice %arg3[%dma_wait3A_362, %dma_wait3A_363] : memref<2600000x64xf32, #tpu.memory_space<hbm>> -> memref<2600000x64xf32, #tpu.memory_space<hbm>>
    tpu.wait_indirect_dma semaphore(%arg33 : memref<!tpu.dma_semaphore, #tpu.memory_space<semaphore_mem>>) src(%dma_wait3A_364 : memref<2600000x64xf32, #tpu.memory_space<hbm>>) dst(%arg32 : memref<512x64xf32, #tpu.memory_space<vmem>>)
    %dma_wait3A_365 = arith.constant 0 : i32
    %dma_wait3A_366 = arith.constant 0 : i32
    %dma_wait3A_367 = tpu.memref_slice %arg3[%dma_wait3A_365, %dma_wait3A_366] : memref<2600000x64xf32, #tpu.memory_space<hbm>> -> memref<2600000x64xf32, #tpu.memory_space<hbm>>
    tpu.wait_indirect_dma semaphore(%arg33 : memref<!tpu.dma_semaphore, #tpu.memory_space<semaphore_mem>>) src(%dma_wait3A_367 : memref<2600000x64xf32, #tpu.memory_space<hbm>>) dst(%arg32 : memref<512x64xf32, #tpu.memory_space<vmem>>)
    %dma_wait3A_368 = arith.constant 0 : i32
    %dma_wait3A_369 = arith.constant 0 : i32
    %dma_wait3A_370 = tpu.memref_slice %arg3[%dma_wait3A_368, %dma_wait3A_369] : memref<2600000x64xf32, #tpu.memory_space<hbm>> -> memref<2600000x64xf32, #tpu.memory_space<hbm>>
    tpu.wait_indirect_dma semaphore(%arg33 : memref<!tpu.dma_semaphore, #tpu.memory_space<semaphore_mem>>) src(%dma_wait3A_370 : memref<2600000x64xf32, #tpu.memory_space<hbm>>) dst(%arg32 : memref<512x64xf32, #tpu.memory_space<vmem>>)
    %dma_wait3A_371 = arith.constant 0 : i32
    %dma_wait3A_372 = arith.constant 0 : i32
    %dma_wait3A_373 = tpu.memref_slice %arg3[%dma_wait3A_371, %dma_wait3A_372] : memref<2600000x64xf32, #tpu.memory_space<hbm>> -> memref<2600000x64xf32, #tpu.memory_space<hbm>>
    tpu.wait_indirect_dma semaphore(%arg33 : memref<!tpu.dma_semaphore, #tpu.memory_space<semaphore_mem>>) src(%dma_wait3A_373 : memref<2600000x64xf32, #tpu.memory_space<hbm>>) dst(%arg32 : memref<512x64xf32, #tpu.memory_space<vmem>>)
    %dma_wait3A_374 = arith.constant 0 : i32
    %dma_wait3A_375 = arith.constant 0 : i32
    %dma_wait3A_376 = tpu.memref_slice %arg3[%dma_wait3A_374, %dma_wait3A_375] : memref<2600000x64xf32, #tpu.memory_space<hbm>> -> memref<2600000x64xf32, #tpu.memory_space<hbm>>
    tpu.wait_indirect_dma semaphore(%arg33 : memref<!tpu.dma_semaphore, #tpu.memory_space<semaphore_mem>>) src(%dma_wait3A_376 : memref<2600000x64xf32, #tpu.memory_space<hbm>>) dst(%arg32 : memref<512x64xf32, #tpu.memory_space<vmem>>)
    %dma_wait3A_377 = arith.constant 0 : i32
    %dma_wait3A_378 = arith.constant 0 : i32
    %dma_wait3A_379 = tpu.memref_slice %arg3[%dma_wait3A_377, %dma_wait3A_378] : memref<2600000x64xf32, #tpu.memory_space<hbm>> -> memref<2600000x64xf32, #tpu.memory_space<hbm>>
    tpu.wait_indirect_dma semaphore(%arg33 : memref<!tpu.dma_semaphore, #tpu.memory_space<semaphore_mem>>) src(%dma_wait3A_379 : memref<2600000x64xf32, #tpu.memory_space<hbm>>) dst(%arg32 : memref<512x64xf32, #tpu.memory_space<vmem>>)
    %dma_wait3A_380 = arith.constant 0 : i32
    %dma_wait3A_381 = arith.constant 0 : i32
    %dma_wait3A_382 = tpu.memref_slice %arg3[%dma_wait3A_380, %dma_wait3A_381] : memref<2600000x64xf32, #tpu.memory_space<hbm>> -> memref<2600000x64xf32, #tpu.memory_space<hbm>>
    tpu.wait_indirect_dma semaphore(%arg33 : memref<!tpu.dma_semaphore, #tpu.memory_space<semaphore_mem>>) src(%dma_wait3A_382 : memref<2600000x64xf32, #tpu.memory_space<hbm>>) dst(%arg32 : memref<512x64xf32, #tpu.memory_space<vmem>>)
    %dma_wait3A_383 = arith.constant 0 : i32
    %dma_wait3A_384 = arith.constant 0 : i32
    %dma_wait3A_385 = tpu.memref_slice %arg3[%dma_wait3A_383, %dma_wait3A_384] : memref<2600000x64xf32, #tpu.memory_space<hbm>> -> memref<2600000x64xf32, #tpu.memory_space<hbm>>
    tpu.wait_indirect_dma semaphore(%arg33 : memref<!tpu.dma_semaphore, #tpu.memory_space<semaphore_mem>>) src(%dma_wait3A_385 : memref<2600000x64xf32, #tpu.memory_space<hbm>>) dst(%arg32 : memref<512x64xf32, #tpu.memory_space<vmem>>)
    %dma_wait3A_386 = arith.constant 0 : i32
    %dma_wait3A_387 = arith.constant 0 : i32
    %dma_wait3A_388 = tpu.memref_slice %arg3[%dma_wait3A_386, %dma_wait3A_387] : memref<2600000x64xf32, #tpu.memory_space<hbm>> -> memref<2600000x64xf32, #tpu.memory_space<hbm>>
    tpu.wait_indirect_dma semaphore(%arg33 : memref<!tpu.dma_semaphore, #tpu.memory_space<semaphore_mem>>) src(%dma_wait3A_388 : memref<2600000x64xf32, #tpu.memory_space<hbm>>) dst(%arg32 : memref<512x64xf32, #tpu.memory_space<vmem>>)
    %dma_wait3A_389 = arith.constant 0 : i32
    %dma_wait3A_390 = arith.constant 0 : i32
    %dma_wait3A_391 = tpu.memref_slice %arg3[%dma_wait3A_389, %dma_wait3A_390] : memref<2600000x64xf32, #tpu.memory_space<hbm>> -> memref<2600000x64xf32, #tpu.memory_space<hbm>>
    tpu.wait_indirect_dma semaphore(%arg33 : memref<!tpu.dma_semaphore, #tpu.memory_space<semaphore_mem>>) src(%dma_wait3A_391 : memref<2600000x64xf32, #tpu.memory_space<hbm>>) dst(%arg32 : memref<512x64xf32, #tpu.memory_space<vmem>>)
    %dma_wait3A_392 = arith.constant 0 : i32
    %dma_wait3A_393 = arith.constant 0 : i32
    %dma_wait3A_394 = tpu.memref_slice %arg3[%dma_wait3A_392, %dma_wait3A_393] : memref<2600000x64xf32, #tpu.memory_space<hbm>> -> memref<2600000x64xf32, #tpu.memory_space<hbm>>
    tpu.wait_indirect_dma semaphore(%arg33 : memref<!tpu.dma_semaphore, #tpu.memory_space<semaphore_mem>>) src(%dma_wait3A_394 : memref<2600000x64xf32, #tpu.memory_space<hbm>>) dst(%arg32 : memref<512x64xf32, #tpu.memory_space<vmem>>)
    %dma_wait3A_395 = arith.constant 0 : i32
    %dma_wait3A_396 = arith.constant 0 : i32
    %dma_wait3A_397 = tpu.memref_slice %arg3[%dma_wait3A_395, %dma_wait3A_396] : memref<2600000x64xf32, #tpu.memory_space<hbm>> -> memref<2600000x64xf32, #tpu.memory_space<hbm>>
    tpu.wait_indirect_dma semaphore(%arg33 : memref<!tpu.dma_semaphore, #tpu.memory_space<semaphore_mem>>) src(%dma_wait3A_397 : memref<2600000x64xf32, #tpu.memory_space<hbm>>) dst(%arg32 : memref<512x64xf32, #tpu.memory_space<vmem>>)
    "tpu.region"() ({
      %run_scoped3A = tpu.sem_alloc : memref<!tpu.dma_semaphore, #tpu.memory_space<semaphore_mem>>
      %dma_start3A_398 = arith.constant 0 : i32
      %dma_start3A_399 = tpu.memref_slice %arg4[%mul3A_2, %dma_start3A_398] : memref<16384x64xf32, #tpu.memory_space<hbm>> -> memref<512x64xf32, #tpu.memory_space<hbm>>
      %dma_start3A_400 = arith.constant 0 : i32
      %dma_start3A_401 = tpu.memref_slice %arg4[%mul3A_2, %dma_start3A_400] : memref<16384x64xf32, #tpu.memory_space<hbm>> -> memref<512x64xf32, #tpu.memory_space<hbm>>
      tpu.enqueue_dma source(%arg32 : memref<512x64xf32, #tpu.memory_space<vmem>>) target(%dma_start3A_401 : memref<512x64xf32, #tpu.memory_space<hbm>>) target_semaphore(%run_scoped3A : memref<!tpu.dma_semaphore, #tpu.memory_space<semaphore_mem>>)
      %dma_wait3A_402 = arith.constant 0 : i32
      %dma_wait3A_403 = tpu.memref_slice %arg4[%mul3A_2, %dma_wait3A_402] : memref<16384x64xf32, #tpu.memory_space<hbm>> -> memref<512x64xf32, #tpu.memory_space<hbm>>
      %dma_wait3A_404 = arith.constant 0 : i32
      %dma_wait3A_405 = tpu.memref_slice %arg4[%mul3A_2, %dma_wait3A_404] : memref<16384x64xf32, #tpu.memory_space<hbm>> -> memref<512x64xf32, #tpu.memory_space<hbm>>
      tpu.wait_dma2 semaphore(%run_scoped3A : memref<!tpu.dma_semaphore, #tpu.memory_space<semaphore_mem>>) src(%arg32 : memref<512x64xf32, #tpu.memory_space<vmem>>) dst(%dma_wait3A_405 : memref<512x64xf32, #tpu.memory_space<hbm>>)
      tpu.yield
    }) : () -> ()
    return
  }
}

</mosaic_0001>

<sc_bundles>
// kernel: kernel.3.cloned.1.call-start
scs
__scs_entry_jumppad:
0x0: {  	(pc) =	sbr.rel $0x88, $3  }
0x1: {  	(tag) =	ssettag $0x0;
	lr =	simm.s32 $0x1  }
0x2: {  	[smem:$0x3F9F] =	sst lr;
	_ =	strace $0xD0000000  }
0x3: {  	_ = 	snop  }
0x4: {  	_ = 	snop  }
0x5: {  	_ = 	snop  }
0x6: {  	_ = 	snop  }
0x7: {  	_ = 	snop  }
__scs_overlays_trampoline_lowered:
0x8: {  	[smem:$0x3FAE] =	sst s0  }
0x9: {  	[smem:$0x3FAF] =	sst s1  }
0xa: {  	[smem:$0x3FB0] =	sst s2  }
0xb: {  	[smem:$0x3FB1] =	sst s3  }
0xc: {  	[smem:$0x3FB2] =	sst s4  }
0xd: {  	[smem:$0x3FB3] =	sst s5  }
0xe: {  	[smem:$0x3FB4] =	sst s6  }
0xf: {  	[smem:$0x3FB5] =	sst s7  }
0x10: {  	[smem:$0x3FB6] =	sst s8  }
0x11: {  	[smem:$0x3FB7] =	sst s9;
	s0 =	simm.s32 @!p0 $0x0  }
0x12: {  	s1 =	sld [smem:$0x3F9D];
	s0 =	simm.s32 @p0 $0x1  }
0x13: {  	[smem:$0x3FB8] =	sst s0;
	s0 =	simm.s32 @!p1 $0x0  }
0x14: {  	s2 =	sld [smem:$0x3F9C];
	s0 =	simm.s32 @p1 $0x1  }
0x15: {  	[smem:$0x3FB9] =	sst s0;
	s0 =	simm.s32 @!p2 $0x0  }
0x16: {  	s3 =	sld [smem:$0x3FDB];
	s0 =	simm.s32 @p2 $0x1  }
0x17: {  	s4 =	simm.s32 $0x1BF5;
	[smem:$0x3FBB] =	sst s0  }
0x18: {  	s0 =	sld [smem:$0x3F9E];
	_ =	swait.ge [sflag:s4], $0x0  }
0x19: {  	s7 =	sld [smem:$0x3F9F]  }
0x1a: {  	s8 =	sadd.s32 $0xFFFFE003, lr  }
0x1b: {  	s9 =	sadd.s32 $0xFFFFFEF7, lr;
	s5 =	simm.s32 $0xFFFFFFFF;
	p2 =	slt.u32 s8, $0xFFFFF086  }
0x1c: {  	p1 =	slt.u32 s9, $0xF7A;
	s5 =	simm.s32 @!p2 $0x0  }
0x1d: {  	s5 =	simm.s32 @p1 $0x1;
	p0 =	seq.s32 s7, s2  }
0x1e: {  	s7 =	smul.u32 @!p0 $0xF7A, s2;
	p2 =	seq.s32 @!p0 s5, $0x0  }
0x1f: {  	s9 =	smul.u32 $0xF7A, s1;
	s8 =	simm.s32 @!p0 $0x1BF5;
	p2 =	por !p2, p0  }
0x20: {  	[sflag:s8] =	ssyncset.s32 @!p0 $0xFFFFF086;
	s6 =	sadd.s32 @!p0 s3, s7;
	s7 =	simm.s32 @!p0 $0x108  }
0x21: {  	s3 =	sadd.s32 s3, s9;
	s6 =	sadd.s32 @!p0 $0x88, s6;
	s7 =	simm.s32 @p2 $0x1082  }
0x22: {  	[simem:s7], [sflag:s8] =	dma.local @!p0 [hbm:s6], $0xF7A  }
0x23: {  	s9 =	sor.u32 $0xD0000000, s2;
	s6 =	simm.s32 $0x108;
	_ =	swait.ge @!p0 [sflag:s8], $0x0  }
0x24: {  	s3 =	sadd.s32 $0x88, s3;
	s6 =	simm.s32 @!p1 $0x1082;
	[sflag:s4] =	ssyncset.s32 $0xFFFFF086  }
0x25: {  	[simem:s6], [sflag:s4] =	dma.local [hbm:s3], $0xF7A  }
0x26: {  	[smem:$0x3F9F] =	sst s1;
	(tag) =	ssettag s2;
	_ =	strace s9  }
0x27: {  	s1 =	sld [smem:$0x3FAF]  }
0x28: {  	s2 =	sld [smem:$0x3FB0]  }
0x29: {  	s4 =	sld [smem:$0x3FB2]  }
0x2a: {  	p0 =	seq.s32 s5, $0x0;
	s5 =	sld [smem:$0x3FB3]  }
0x2b: {  	s6 =	sld [smem:$0x3FB4]  }
0x2c: {  	s7 =	sld [smem:$0x3FB5]  }
0x2d: {  	s3 =	simm.s32 $0x108;
	s8 =	sld [smem:$0x3FB6]  }
0x2e: {  	s3 =	simm.s32 @!p0 $0x1082;
	s9 =	sld [smem:$0x3FB7]  }
0x2f: {  	lr =	sadd.s32 s0, s3;
	s0 =	sld [smem:$0x3FAE]  }
0x30: {  	s3 =	sld [smem:$0x3FB1]  }
0x31: {  	[smem:$0x3FBA] =	sst s10  }
0x32: {  	s10 =	sld [smem:$0x3FB8];
	_ =	sdelay $0x3  }
0x33: {  	p0 =	seq.s32 s10, $0x1;
	s10 =	sld [smem:$0x3FBA];
	_ =	sdelay $0x3  }
0x34: {  	[smem:$0x3FBA] =	sst s10  }
0x35: {  	s10 =	sld [smem:$0x3FB9];
	_ =	sdelay $0x3  }
0x36: {  	p1 =	seq.s32 s10, $0x1;
	s10 =	sld [smem:$0x3FBA];
	_ =	sdelay $0x3  }
0x37: {  	[smem:$0x3FBA] =	sst s10  }
0x38: {  	s10 =	sld [smem:$0x3FBB]  }
0x39: {  	_ = 	snop;
	(pc) =	sbr.ind lr, $3  }
0x3a: {  	_ = 	snop  }
0x3b: {  	_ = 	snop  }
0x3c: {  	p2 =	seq.s32 s10, $0x1;
	s10 =	sld [smem:$0x3FBA]  }
0x3d: {  	_ =	shalt  }
0x3e: {  	_ =	shalt  }
0x3f: {  	_ =	shalt  }
0x40: {  	_ =	shalt  }
0x41: {  	_ =	shalt  }
0x42: {  	_ =	shalt  }
0x43: {  	_ =	shalt  }
0x44: {  	_ =	shalt  }
0x45: {  	_ =	shalt  }
0x46: {  	_ =	shalt  }
0x47: {  	_ =	shalt  }
0x48: {  	_ =	shalt  }
0x49: {  	_ =	shalt  }
0x4a: {  	_ =	shalt  }
0x4b: {  	_ =	shalt  }
0x4c: {  	_ =	shalt  }
0x4d: {  	_ =	shalt  }
0x4e: {  	_ =	shalt  }
0x4f: {  	_ =	shalt  }
0x50: {  	_ =	shalt  }
0x51: {  	_ =	shalt  }
0x52: {  	_ =	shalt  }
0x53: {  	_ =	shalt  }
0x54: {  	_ =	shalt  }
0x55: {  	_ =	shalt  }
0x56: {  	_ =	shalt  }
0x57: {  	_ =	shalt  }
0x58: {  	_ =	shalt  }
0x59: {  	_ =	shalt  }
0x5a: {  	_ =	shalt  }
0x5b: {  	_ =	shalt  }
0x5c: {  	_ =	shalt  }
0x5d: {  	_ =	shalt  }
0x5e: {  	_ =	shalt  }
0x5f: {  	_ =	shalt  }
0x60: {  	_ =	shalt  }
0x61: {  	_ =	shalt  }
0x62: {  	_ =	shalt  }
0x63: {  	_ =	shalt  }
0x64: {  	_ =	shalt  }
0x65: {  	_ =	shalt  }
0x66: {  	_ =	shalt  }
0x67: {  	_ =	shalt  }
0x68: {  	_ =	shalt  }
0x69: {  	_ =	shalt  }
0x6a: {  	_ =	shalt  }
0x6b: {  	_ =	shalt  }
0x6c: {  	_ =	shalt  }
0x6d: {  	_ =	shalt  }
0x6e: {  	_ =	shalt  }
0x6f: {  	_ =	shalt  }
0x70: {  	_ =	shalt  }
0x71: {  	_ =	shalt  }
0x72: {  	_ =	shalt  }
0x73: {  	_ =	shalt  }
0x74: {  	_ =	shalt  }
0x75: {  	_ =	shalt  }
0x76: {  	_ =	shalt  }
0x77: {  	_ =	shalt  }
0x78: {  	_ =	shalt  }
0x79: {  	_ =	shalt  }
0x7a: {  	_ =	shalt  }
0x7b: {  	_ =	shalt  }
0x7c: {  	_ =	shalt  }
0x7d: {  	_ =	shalt  }
0x7e: {  	_ =	shalt  }
0x7f: {  	_ =	shalt  }
0x80: {  	_ =	shalt  }
0x81: {  	_ =	shalt  }
0x82: {  	_ =	shalt  }
0x83: {  	_ =	shalt  }
0x84: {  	_ =	shalt  }
0x85: {  	_ =	shalt  }
0x86: {  	_ =	shalt  }
0x87: {  	_ =	shalt  }
.Lfunc_end0:
.L_simem_size_0:
called_computation_lowered:
.L_overlay_start_0:
0x88: {  	s2 =	sld [smem:$0x3FD9]  }
0x89: {  	s3 =	sld [smem:$0x3FFE];
	_ =	sdelay $0x1  }
0x8a: {  	s1 =	srdreg.scid  }
0x8b: {  	s0 =	sand.u32 $0x1, s1  }
0x8c: {  	s17 =	sshll.u32 s0, $0xA;
	s2 =	sadd.s32 s3, s2  }
0x8d: {  	s2 =	sadd.s32 s2, s17  }
0x8e: {  	[smem:$0x3FC6] =	sst s2  }
0x8f: {  	_ = 	snop  }
0x90: {  	s2 =	sld [smem:$0x3FD0];
	(tm) =	ssettm $0x1  }
0x91: {  	s18 =	sld [smem:$0x3FFB];
	_ =	sdelay $0x3  }
0x92: {  	_ =	strace s18  }
0x93: {  	s3 =	sld [smem:$0x3FFC];
	_ =	sdelay $0x3  }
0x94: {  	_ =	strace s3  }
0x95: {  	s3 =	sld [smem:$0x3FFD];
	_ =	sdelay $0x3  }
0x96: {  	_ =	strace s3  }
0x97: {  	_ =	strace $0x8FFFFFFF  }
0x98: {  	s19 =	sld [smem:$0x3FDB];
	_ =	sdelay $0x1  }
0x99: {  	s4 =	simm.s32 $_scs_section_size  }
0x9a: {  	s5 =	simm.s32 $_size__tile_overlayer_lowered;
	s6 =	simm.s32 $_tile_overlayer_lowered  }
0x9b: {  	s22 =	simm.s32 $0x1BFF;
	s21 =	sshll.u32 s6, $0x1;
	s3 =	sadd.s32 s4, s19  }
0x9c: {  	s7 =	simm.s32 $0x0;
	s20 =	sshll.u32 s5, $0x1;
	s5 =	sadd.s32 s21, s3  }
0x9d: {  	[timem:s7], [sflag:s22] =	dma.local [hbm:s5], s20  }
0x9e: {  	_ =	swait.ge [sflag:s22], s20  }
0x9f: {  	s4 =	ssub.s32 $0x0, s20;
	[sflag:s22] =	ssyncset.done $0x0  }
0xa0: {  	[sflag:s22] =	ssyncadd.s32 s4;
	_ =	sdelay $0x1  }
0xa1: {  	s23 =	simm.s32 $0x1B8B  }
0xa2: {  	_ =	swait.ge [sflag:s23], $0x1  }
0xa3: {  	[sflag:s23] =	ssyncset.done $0x0  }
0xa4: {  	s25 =	simm.s32 $0x1B8E;
	s24 =	sld [smem:$0x3FFE];
	[sflag:s23] =	ssyncadd.s32 $0xFFFFFFFF  }
0xa5: {  	s26 =	simm.s32 $execute0_lowered;
	[smem:$0x3FD2] =	sst s25  }
0xa6: {  	s5 =	sshll.u32 s26, $0x1;
	_ =	strace $0x80000046;
	[dreg:$0x1] =	wrdreg $0xFFFFFFFF  }
0xa7: {  	s28 =	simm.s32 $_size_execute0_lowered;
	s3 =	sadd.s32 s3, s5;
	[dreg:$0x0] =	wrdreg $0x0  }
0xa8: {  	s5 =	sshll.u32 s28, $0x1;
	[dreg:$0x2] =	wrdreg s3  }
0xa9: {  	[dreg:$0x3] =	wrdreg s5  }
0xaa: {  	[dreg:$0x4] =	wrdreg $0xC0  }
0xab: {  	_ =	task [dreg:s7], $0x5FFFF  }
0xac: {  	[dreg:$0x1] =	wrdreg $0xFFFFFFFF  }
0xad: {  	[dreg:$0x0] =	wrdreg $0x60  }
0xae: {  	[dreg:$0x2] =	wrdreg s24  }
0xaf: {  	[dreg:$0x3] =	wrdreg s2  }
0xb0: {  	[dreg:$0x4] =	wrdreg $0x9  }
0xb1: {  	_ =	task.clear_ibuf [dreg:s7], $0x5FFFF;
	_ =	strace $0x90000046  }
0xb2: {  	s29 =	simm.s32 $0x9;
	_ =	strace $0x80000048  }
0xb3: {  	_ =	swait.ge [sflag:s29], $0x1  }
0xb4: {  	[sflag:s29] =	ssyncadd.s32 $0xFFFFFFFF  }
0xb5: {  	_ =	strace $0x90000048  }
0xb6: {  	_ =	sfence  }
0xb7: {  	s30 =	sld [smem:$0x0];
	_ =	sdelay $0x2  }
0xb8: {  	s31 =	sshll.u32 s1, $0xD;
	s1 =	sshrl.u32 s1, $0x2  }
0xb9: {  	s3 =	sand.u32 $0x4000, s31;
	s1 =	sadd.s32 s1, s30  }
0xba: {  	s0 =	sor.u32 s3, s0;
	s1 =	sshll.u32 s1, $0x11  }
0xbb: {  	s0 =	sor.u32 s1, s0  }
0xbc: {  	s0 =	sadd.s32 $0x8F2B, s0  }
0xbd: {  	[sflag:s0] =	ssyncadd.remote.s32 $0x1  }
0xbe: {  	_ =	sfence.sel $0xFFFF  }
0xbf: {  	[dreg:$0x0] =	wrdreg $0xFFFFFFFF;
	(pc) =	sbr.abs _section_cstart, $3  }
0xc0: {  	[dreg:$0x1] =	wrdreg $0xFFFFFFFF  }
0xc1: {  	_ =	task.clear_ibuf [dreg:s7], $0x2FFFF;
	_ =	strace $0x9FFFFFFF  }
0xc2: {  	(tm) =	ssettm $0x7FFFFFFF  }
0xc3: {  	_ =	shalt  }
tec
execute0_lowered:
.L_overlay_start_1:
0x0: {  	(tag) =	ssettag $0x1  }
0x1: {  	s0 =	rddreg [dreg:$0x0]  }
0x2: {  	s1 =	rddreg [dreg:$0x1]  }
0x3: {  	s2 =	srdreg.scid;
	s4 =	stileid.u32  }
0x4: {  	s3 =	sand.u32 $0x1, s2;
	s2 =	simm.s32 $0x0;
	s4 =	sshll.u32 s4, $0xA  }
0x5: {  	s5 =	sshll.u32 s3, $0x9;
	[smem:$0x7FF] =	sst s2;
	s8 =	ssub.s32 $0x2, s3  }
0x6: {  	s3 =	sadd.s32 $0x27ACA00, s0;
	s4 =	sor.u32 s5, s4;
	_ =	strace $0x80000047  }
0x7: {  	s6 =	sshrl.u32 s8, $0x1;
	s5 =	simm.s32 $0x6800;
	s9 =	sshrl.u32 s4, $0x3  }
0x8: {  	s10 =	ssub.s32 s8, s6;
	s4 =	sshll.u32 s4, $0x3;
	s7 =	sadd.s32 s9, s0  }
0x9: {  	s6 =	simm.s32 $0x1;
	s0 =	smax.u32 s10, $0x1;
	s20 =	sadd.s32 $0x600, s7  }
0xa: {  	s21 =	sadd.s32 $0xE00, s7;
	s22 =	sadd.s32 $0x1600, s7;
	s23 =	sadd.s32 $0x1E00, s7  }
0xb: {  	s24 =	sadd.s32 $0x2600, s7;
	s25 =	sadd.s32 $0x2E00, s7;
	s26 =	sadd.s32 $0x3600, s7  }
0xc: {  	s11 =	sadd.s32 $0x3E00, s7;
	s12 =	sadd.s32 $0x4600, s7;
	[dreg:$0x3] =	wrdreg s20  }
0xd: {  	s13 =	sadd.s32 $0x4E00, s7;
	s14 =	sadd.s32 $0x5600, s7;
	[dreg:$0x4] =	wrdreg s21  }
0xe: {  	s15 =	sadd.s32 $0x5E00, s7;
	s16 =	sadd.s32 $0x6600, s7;
	[dreg:$0x5] =	wrdreg s22  }
0xf: {  	s17 =	sadd.s32 $0x6E00, s7;
	s18 =	sadd.s32 $0x7600, s7;
	[dreg:$0x6] =	wrdreg s23  }
0x10: {  	s19 =	sadd.s32 $0x7E00, s7;
	s28 =	sadd.s32 $0xB600, s7;
	[dreg:$0x7] =	wrdreg s24  }
0x11: {  	s29 =	sadd.s32 $0xBE00, s7;
	s30 =	sadd.s32 $0xC600, s7;
	[dreg:$0x8] =	wrdreg s25  }
0x12: {  	s31 =	sadd.s32 $0xCE00, s7;
	[dreg:$0x9] =	wrdreg s26;
	s20 =	sadd.s32 $0x8600, s7  }
0x13: {  	s21 =	sadd.s32 $0x8E00, s7;
	s22 =	sadd.s32 s1, s4;
	s23 =	sadd.s32 $0x9600, s7  }
0x14: {  	s24 =	sadd.s32 $0x9E00, s7;
	s25 =	sadd.s32 $0xA600, s7;
	s26 =	sadd.s32 $0xAE00, s7  }
0x15: {  	v0 =	vimm.f32 $0.0e+00;
	s1 =	simm.s32 $0x2;
	s4 =	simm.s32 $0x200;
	s7 =	simm.s32 $0x0  }
.LBB2_1:
0x16: {  	s8 =	rddreg [dreg:$0x3]  }
0x17: {  	[tilespmem:s2], [sflag:$0x2] =	stream.linear.gather [hbm4b:s8+s2], $0x200, $0x38;
	[tilespmem:$0xE800] =	vst v63  }
0x18: {  	_ =	swait.ge [sflag:s1], $0x200  }
0x19: {  	[sflag:s1] =	ssyncset.done $0x0  }
0x1a: {  	s9 =	rddreg [dreg:$0x4];
	[sflag:s1] =	ssyncadd.s32 $0xFFFFFE00  }
0x1b: {  	[tilespmem:s4], [sflag:$0x2] =	stream.linear.gather [hbm4b:s9+s2], $0x200, $0x38;
	[tilespmem:$0xE800] =	vst v63  }
0x1c: {  	_ =	swait.ge [sflag:s1], $0x200  }
0x1d: {  	[sflag:s1] =	ssyncset.done $0x0  }
0x1e: {  	s9 =	simm.s32 $0x400;
	s10 =	rddreg [dreg:$0x5];
	[sflag:s1] =	ssyncadd.s32 $0xFFFFFE00  }
0x1f: {  	[tilespmem:s9], [sflag:$0x2] =	stream.linear.gather [hbm4b:s10+s2], $0x200, $0x38;
	[tilespmem:$0xE800] =	vst v63  }
0x20: {  	_ =	swait.ge [sflag:s1], $0x200  }
0x21: {  	[sflag:s1] =	ssyncset.done $0x0  }
0x22: {  	s10 =	simm.s32 $0x600;
	s9 =	rddreg [dreg:$0x6];
	[sflag:s1] =	ssyncadd.s32 $0xFFFFFE00  }
0x23: {  	[tilespmem:s10], [sflag:$0x2] =	stream.linear.gather [hbm4b:s9+s2], $0x200, $0x38;
	[tilespmem:$0xE800] =	vst v63  }
0x24: {  	_ =	swait.ge [sflag:s1], $0x200  }
0x25: {  	[sflag:s1] =	ssyncset.done $0x0  }
0x26: {  	s10 =	simm.s32 $0x800;
	s9 =	rddreg [dreg:$0x7];
	[sflag:s1] =	ssyncadd.s32 $0xFFFFFE00  }
0x27: {  	[tilespmem:s10], [sflag:$0x2] =	stream.linear.gather [hbm4b:s9+s2], $0x200, $0x38;
	[tilespmem:$0xE800] =	vst v63  }
0x28: {  	_ =	swait.ge [sflag:s1], $0x200  }
0x29: {  	[sflag:s1] =	ssyncset.done $0x0  }
0x2a: {  	s10 =	simm.s32 $0xA00;
	s9 =	rddreg [dreg:$0x8];
	[sflag:s1] =	ssyncadd.s32 $0xFFFFFE00  }
0x2b: {  	[tilespmem:s10], [sflag:$0x2] =	stream.linear.gather [hbm4b:s9+s2], $0x200, $0x38;
	[tilespmem:$0xE800] =	vst v63  }
0x2c: {  	_ =	swait.ge [sflag:s1], $0x200  }
0x2d: {  	[sflag:s1] =	ssyncset.done $0x0  }
0x2e: {  	s10 =	simm.s32 $0xC00;
	s9 =	rddreg [dreg:$0x9];
	[sflag:s1] =	ssyncadd.s32 $0xFFFFFE00  }
0x2f: {  	[tilespmem:s10], [sflag:$0x2] =	stream.linear.gather [hbm4b:s9+s2], $0x200, $0x38;
	[tilespmem:$0xE800] =	vst v63  }
0x30: {  	_ =	swait.ge [sflag:s1], $0x200  }
0x31: {  	[sflag:s1] =	ssyncset.done $0x0  }
0x32: {  	s10 =	simm.s32 $0xE00;
	[sflag:s1] =	ssyncadd.s32 $0xFFFFFE00  }
0x33: {  	[tilespmem:s10], [sflag:$0x2] =	stream.linear.gather [hbm4b:s11+s2], $0x200, $0x38;
	[tilespmem:$0xE800] =	vst v63  }
0x34: {  	_ =	swait.ge [sflag:s1], $0x200  }
0x35: {  	[sflag:s1] =	ssyncset.done $0x0  }
0x36: {  	s9 =	simm.s32 $0x1000;
	[sflag:s1] =	ssyncadd.s32 $0xFFFFFE00  }
0x37: {  	[tilespmem:s9], [sflag:$0x2] =	stream.linear.gather [hbm4b:s12+s2], $0x200, $0x38;
	[tilespmem:$0xE800] =	vst v63  }
0x38: {  	_ =	swait.ge [sflag:s1], $0x200  }
0x39: {  	[sflag:s1] =	ssyncset.done $0x0  }
0x3a: {  	s10 =	simm.s32 $0x1200;
	[sflag:s1] =	ssyncadd.s32 $0xFFFFFE00  }
0x3b: {  	[tilespmem:s10], [sflag:$0x2] =	stream.linear.gather [hbm4b:s13+s2], $0x200, $0x38;
	[tilespmem:$0xE800] =	vst v63  }
0x3c: {  	_ =	swait.ge [sflag:s1], $0x200  }
0x3d: {  	[sflag:s1] =	ssyncset.done $0x0  }
0x3e: {  	s9 =	simm.s32 $0x1400;
	[sflag:s1] =	ssyncadd.s32 $0xFFFFFE00  }
0x3f: {  	[tilespmem:s9], [sflag:$0x2] =	stream.linear.gather [hbm4b:s14+s2], $0x200, $0x38;
	[tilespmem:$0xE800] =	vst v63  }
0x40: {  	_ =	swait.ge [sflag:s1], $0x200  }
0x41: {  	[sflag:s1] =	ssyncset.done $0x0  }
0x42: {  	s10 =	simm.s32 $0x1600;
	[sflag:s1] =	ssyncadd.s32 $0xFFFFFE00  }
0x43: {  	[tilespmem:s10], [sflag:$0x2] =	stream.linear.gather [hbm4b:s15+s2], $0x200, $0x38;
	[tilespmem:$0xE800] =	vst v63  }
0x44: {  	_ =	swait.ge [sflag:s1], $0x200  }
0x45: {  	[sflag:s1] =	ssyncset.done $0x0  }
0x46: {  	s9 =	simm.s32 $0x1800;
	[sflag:s1] =	ssyncadd.s32 $0xFFFFFE00  }
0x47: {  	[tilespmem:s9], [sflag:$0x2] =	stream.linear.gather [hbm4b:s16+s2], $0x200, $0x38;
	[tilespmem:$0xE800] =	vst v63  }
0x48: {  	_ =	swait.ge [sflag:s1], $0x200  }
0x49: {  	[sflag:s1] =	ssyncset.done $0x0  }
0x4a: {  	s10 =	simm.s32 $0x1A00;
	[sflag:s1] =	ssyncadd.s32 $0xFFFFFE00  }
0x4b: {  	[tilespmem:s10], [sflag:$0x2] =	stream.linear.gather [hbm4b:s17+s2], $0x200, $0x38;
	[tilespmem:$0xE800] =	vst v63  }
0x4c: {  	_ =	swait.ge [sflag:s1], $0x200  }
0x4d: {  	[sflag:s1] =	ssyncset.done $0x0  }
0x4e: {  	s9 =	simm.s32 $0x1C00;
	[sflag:s1] =	ssyncadd.s32 $0xFFFFFE00  }
0x4f: {  	[tilespmem:s9], [sflag:$0x2] =	stream.linear.gather [hbm4b:s18+s2], $0x200, $0x38;
	[tilespmem:$0xE800] =	vst v63  }
0x50: {  	_ =	swait.ge [sflag:s1], $0x200  }
0x51: {  	[sflag:s1] =	ssyncset.done $0x0  }
0x52: {  	s10 =	simm.s32 $0x1E00;
	[sflag:s1] =	ssyncadd.s32 $0xFFFFFE00  }
0x53: {  	[tilespmem:s10], [sflag:$0x2] =	stream.linear.gather [hbm4b:s19+s2], $0x200, $0x38;
	[tilespmem:$0xE800] =	vst v63  }
0x54: {  	_ =	swait.ge [sflag:s1], $0x200  }
0x55: {  	[sflag:s1] =	ssyncset.done $0x0  }
0x56: {  	s9 =	simm.s32 $0x2000;
	[sflag:s1] =	ssyncadd.s32 $0xFFFFFE00  }
0x57: {  	[tilespmem:s9], [sflag:$0x2] =	stream.linear.gather [hbm4b:s20+s2], $0x200, $0x38;
	[tilespmem:$0xE800] =	vst v63  }
0x58: {  	_ =	swait.ge [sflag:s1], $0x200  }
0x59: {  	[sflag:s1] =	ssyncset.done $0x0  }
0x5a: {  	s10 =	simm.s32 $0x2200;
	[sflag:s1] =	ssyncadd.s32 $0xFFFFFE00  }
0x5b: {  	[tilespmem:s10], [sflag:$0x2] =	stream.linear.gather [hbm4b:s21+s2], $0x200, $0x38;
	[tilespmem:$0xE800] =	vst v63  }
0x5c: {  	_ =	swait.ge [sflag:s1], $0x200  }
0x5d: {  	[sflag:s1] =	ssyncset.done $0x0  }
0x5e: {  	s9 =	simm.s32 $0x2400;
	[sflag:s1] =	ssyncadd.s32 $0xFFFFFE00  }
0x5f: {  	[tilespmem:s9], [sflag:$0x2] =	stream.linear.gather [hbm4b:s23+s2], $0x200, $0x38;
	[tilespmem:$0xE800] =	vst v63  }
0x60: {  	_ =	swait.ge [sflag:s1], $0x200  }
0x61: {  	[sflag:s1] =	ssyncset.done $0x0  }
0x62: {  	s10 =	simm.s32 $0x2600;
	[sflag:s1] =	ssyncadd.s32 $0xFFFFFE00  }
0x63: {  	[tilespmem:s10], [sflag:$0x2] =	stream.linear.gather [hbm4b:s24+s2], $0x200, $0x38;
	[tilespmem:$0xE800] =	vst v63  }
0x64: {  	_ =	swait.ge [sflag:s1], $0x200  }
0x65: {  	[sflag:s1] =	ssyncset.done $0x0  }
0x66: {  	s9 =	simm.s32 $0x2800;
	[sflag:s1] =	ssyncadd.s32 $0xFFFFFE00  }
0x67: {  	[tilespmem:s9], [sflag:$0x2] =	stream.linear.gather [hbm4b:s25+s2], $0x200, $0x38;
	[tilespmem:$0xE800] =	vst v63  }
0x68: {  	_ =	swait.ge [sflag:s1], $0x200  }
0x69: {  	[sflag:s1] =	ssyncset.done $0x0  }
0x6a: {  	s10 =	simm.s32 $0x2A00;
	[sflag:s1] =	ssyncadd.s32 $0xFFFFFE00  }
0x6b: {  	[tilespmem:s10], [sflag:$0x2] =	stream.linear.gather [hbm4b:s26+s2], $0x200, $0x38;
	[tilespmem:$0xE800] =	vst v63  }
0x6c: {  	_ =	swait.ge [sflag:s1], $0x200  }
0x6d: {  	[sflag:s1] =	ssyncset.done $0x0  }
0x6e: {  	s9 =	simm.s32 $0x2C00;
	[sflag:s1] =	ssyncadd.s32 $0xFFFFFE00  }
0x6f: {  	[tilespmem:s9], [sflag:$0x2] =	stream.linear.gather [hbm4b:s28+s2], $0x200, $0x38;
	[tilespmem:$0xE800] =	vst v63  }
0x70: {  	_ =	swait.ge [sflag:s1], $0x200  }
0x71: {  	[sflag:s1] =	ssyncset.done $0x0  }
0x72: {  	s10 =	simm.s32 $0x2E00;
	[sflag:s1] =	ssyncadd.s32 $0xFFFFFE00  }
0x73: {  	[tilespmem:s10], [sflag:$0x2] =	stream.linear.gather [hbm4b:s29+s2], $0x200, $0x38;
	[tilespmem:$0xE800] =	vst v63  }
0x74: {  	_ =	swait.ge [sflag:s1], $0x200  }
0x75: {  	[sflag:s1] =	ssyncset.done $0x0  }
0x76: {  	s9 =	simm.s32 $0x3000;
	[sflag:s1] =	ssyncadd.s32 $0xFFFFFE00  }
0x77: {  	[tilespmem:s9], [sflag:$0x2] =	stream.linear.gather [hbm4b:s30+s2], $0x200, $0x38;
	[tilespmem:$0xE800] =	vst v63  }
0x78: {  	_ =	swait.ge [sflag:s1], $0x200  }
0x79: {  	[sflag:s1] =	ssyncset.done $0x0  }
0x7a: {  	s10 =	simm.s32 $0x3200;
	[sflag:s1] =	ssyncadd.s32 $0xFFFFFE00  }
0x7b: {  	[tilespmem:s10], [sflag:$0x2] =	stream.linear.gather [hbm4b:s31+s2], $0x200, $0x38;
	[tilespmem:$0xE800] =	vst v63  }
0x7c: {  	_ =	swait.ge [sflag:s1], $0x200  }
0x7d: {  	[sflag:s1] =	ssyncset.done $0x0  }
0x7e: {  	s8 =	simm.s32 $0x0;
	[sflag:s1] =	ssyncadd.s32 $0xFFFFFE00  }
.LBB2_2:
0x7f: {  	p0 =	sne.s32 s8, $0x1FF00  }
.Ltmp0:
0x80: {  	s9 =	sshra.s32 s8, $0x2;
	(pc) =	sbr.rel @p0 .LBB2_2-.Ltmp0, $4  }
0x81: {  	[tilespmem:s9+$0x6800] =	vst v0  }
0x82: {  	[tilespmem:s9+$0x6810] =	vst v0  }
0x83: {  	[tilespmem:s9+$0x6820] =	vst v0  }
0x84: {  	s8 =	sadd.s32 $0x100, s8;
	[tilespmem:s9+$0x6830] =	vst v0  }
0x85: {  	s8 =	simm.s32 $0x0  }
0x86: {  	s9 =	simm.s32 $0x40;
	v1 =	vld [tilespmem:s8+$0x0]  }
.LBB2_4:
0x87: {  	p0 =	sne.s32 s9, $0x7C0  }
.Ltmp1:
0x88: {  	_ = 	snop;
	(pc) =	sbr.rel @p0 .LBB2_4-.Ltmp1, $3  }
0x89: {  	_ =	sdelay $0x1  }
0x8a: {  	[tilespmem:s8+$0x3400] =	vst v1;
	s8 =	sshra.s32 s9, $0x2;
	s9 =	sadd.s32 $0x40, s9  }
0x8b: {  	v1 =	vld [tilespmem:s8+$0x0]  }
0x8c: {  	_ =	sdelay $0x3  }
0x8d: {  	s10 =	simm.s32 $0x3400;
	[tilespmem:s8+$0x3400] =	vst v1;
	s8 =	simm.s32 $0x0  }
0x8e: {  	[tilespmem:s5], [sflag:$0x1] =	stream.indirect.gather.add.f32 [hbm:s3], $0x40, s10, s4, $0xb8;
	[tilespmem:$0xE800] =	vst v63  }
0x8f: {  	s9 =	simm.s32 $0x40;
	v1 =	vld [tilespmem:s8+$0x200]  }
.LBB2_6:
0x90: {  	p0 =	sne.s32 s9, $0x7C0  }
.Ltmp2:
0x91: {  	_ = 	snop;
	(pc) =	sbr.rel @p0 .LBB2_6-.Ltmp2, $3  }
0x92: {  	_ =	sdelay $0x1  }
0x93: {  	s10 =	sshra.s32 s9, $0x2;
	s9 =	sadd.s32 $0x40, s9;
	v2 =	vadd.s32 $0x186A0, v1  }
0x94: {  	v1 =	vld [tilespmem:s10+$0x200];
	[tilespmem:s8+$0x3600] =	vst v2;
	s8 =	smov.u32 s10  }
0x95: {  	_ =	sdelay $0x3  }
0x96: {  	v1 =	vadd.s32 $0x186A0, v1  }
0x97: {  	s10 =	simm.s32 $0x3600;
	[tilespmem:s8+$0x3600] =	vst v1;
	s8 =	simm.s32 $0x0  }
0x98: {  	[tilespmem:s5], [sflag:$0x1] =	stream.indirect.gather.add.f32 [hbm:s3], $0x40, s10, s4, $0xb8;
	[tilespmem:$0xE800] =	vst v63  }
0x99: {  	s9 =	simm.s32 $0x40;
	v1 =	vld [tilespmem:s8+$0x400]  }
.LBB2_8:
0x9a: {  	p0 =	sne.s32 s9, $0x7C0  }
.Ltmp3:
0x9b: {  	_ = 	snop;
	(pc) =	sbr.rel @p0 .LBB2_8-.Ltmp3, $3  }
0x9c: {  	_ =	sdelay $0x1  }
0x9d: {  	s10 =	sshra.s32 s9, $0x2;
	s9 =	sadd.s32 $0x40, s9;
	v2 =	vadd.s32 $0x30D40, v1  }
0x9e: {  	v1 =	vld [tilespmem:s10+$0x400];
	[tilespmem:s8+$0x3800] =	vst v2;
	s8 =	smov.u32 s10  }
0x9f: {  	_ =	sdelay $0x3  }
0xa0: {  	v1 =	vadd.s32 $0x30D40, v1  }
0xa1: {  	s10 =	simm.s32 $0x3800;
	[tilespmem:s8+$0x3800] =	vst v1;
	s8 =	simm.s32 $0x0  }
0xa2: {  	[tilespmem:s5], [sflag:$0x1] =	stream.indirect.gather.add.f32 [hbm:s3], $0x40, s10, s4, $0xb8;
	[tilespmem:$0xE800] =	vst v63  }
0xa3: {  	s9 =	simm.s32 $0x40;
	v1 =	vld [tilespmem:s8+$0x600]  }
.LBB2_10:
0xa4: {  	p0 =	sne.s32 s9, $0x7C0  }
.Ltmp4:
0xa5: {  	_ = 	snop;
	(pc) =	sbr.rel @p0 .LBB2_10-.Ltmp4, $3  }
0xa6: {  	_ =	sdelay $0x1  }
0xa7: {  	s10 =	sshra.s32 s9, $0x2;
	s9 =	sadd.s32 $0x40, s9;
	v2 =	vadd.s32 $0x493E0, v1  }
0xa8: {  	v1 =	vld [tilespmem:s10+$0x600];
	[tilespmem:s8+$0x3A00] =	vst v2;
	s8 =	smov.u32 s10  }
0xa9: {  	_ =	sdelay $0x3  }
0xaa: {  	v1 =	vadd.s32 $0x493E0, v1  }
0xab: {  	s10 =	simm.s32 $0x3A00;
	[tilespmem:s8+$0x3A00] =	vst v1;
	s8 =	simm.s32 $0x0  }
0xac: {  	[tilespmem:s5], [sflag:$0x1] =	stream.indirect.gather.add.f32 [hbm:s3], $0x40, s10, s4, $0xb8;
	[tilespmem:$0xE800] =	vst v63  }
0xad: {  	s9 =	simm.s32 $0x40;
	v1 =	vld [tilespmem:s8+$0x800]  }
.LBB2_12:
0xae: {  	p0 =	sne.s32 s9, $0x7C0  }
.Ltmp5:
0xaf: {  	_ = 	snop;
	(pc) =	sbr.rel @p0 .LBB2_12-.Ltmp5, $3  }
0xb0: {  	_ =	sdelay $0x1  }
0xb1: {  	s10 =	sshra.s32 s9, $0x2;
	s9 =	sadd.s32 $0x40, s9;
	v2 =	vadd.s32 $0x61A80, v1  }
0xb2: {  	v1 =	vld [tilespmem:s10+$0x800];
	[tilespmem:s8+$0x3C00] =	vst v2;
	s8 =	smov.u32 s10  }
0xb3: {  	_ =	sdelay $0x3  }
0xb4: {  	v1 =	vadd.s32 $0x61A80, v1  }
0xb5: {  	s10 =	simm.s32 $0x3C00;
	[tilespmem:s8+$0x3C00] =	vst v1;
	s8 =	simm.s32 $0x0  }
0xb6: {  	[tilespmem:s5], [sflag:$0x1] =	stream.indirect.gather.add.f32 [hbm:s3], $0x40, s10, s4, $0xb8;
	[tilespmem:$0xE800] =	vst v63  }
0xb7: {  	s9 =	simm.s32 $0x40;
	v1 =	vld [tilespmem:s8+$0xA00]  }
.LBB2_14:
0xb8: {  	p0 =	sne.s32 s9, $0x7C0  }
.Ltmp6:
0xb9: {  	_ = 	snop;
	(pc) =	sbr.rel @p0 .LBB2_14-.Ltmp6, $3  }
0xba: {  	_ =	sdelay $0x1  }
0xbb: {  	s10 =	sshra.s32 s9, $0x2;
	s9 =	sadd.s32 $0x40, s9;
	v2 =	vadd.s32 $0x7A120, v1  }
0xbc: {  	v1 =	vld [tilespmem:s10+$0xA00];
	[tilespmem:s8+$0x3E00] =	vst v2;
	s8 =	smov.u32 s10  }
0xbd: {  	_ =	sdelay $0x3  }
0xbe: {  	v1 =	vadd.s32 $0x7A120, v1  }
0xbf: {  	s10 =	simm.s32 $0x3E00;
	[tilespmem:s8+$0x3E00] =	vst v1;
	s8 =	simm.s32 $0x0  }
0xc0: {  	[tilespmem:s5], [sflag:$0x1] =	stream.indirect.gather.add.f32 [hbm:s3], $0x40, s10, s4, $0xb8;
	[tilespmem:$0xE800] =	vst v63  }
0xc1: {  	s9 =	simm.s32 $0x40;
	v1 =	vld [tilespmem:s8+$0xC00]  }
.LBB2_16:
0xc2: {  	p0 =	sne.s32 s9, $0x7C0  }
.Ltmp7:
0xc3: {  	_ = 	snop;
	(pc) =	sbr.rel @p0 .LBB2_16-.Ltmp7, $3  }
0xc4: {  	_ =	sdelay $0x1  }
0xc5: {  	s10 =	sshra.s32 s9, $0x2;
	s9 =	sadd.s32 $0x40, s9;
	v2 =	vadd.s32 $0x927C0, v1  }
0xc6: {  	v1 =	vld [tilespmem:s10+$0xC00];
	[tilespmem:s8+$0x4000] =	vst v2;
	s8 =	smov.u32 s10  }
0xc7: {  	_ =	sdelay $0x3  }
0xc8: {  	v1 =	vadd.s32 $0x927C0, v1  }
0xc9: {  	s10 =	simm.s32 $0x4000;
	[tilespmem:s8+$0x4000] =	vst v1;
	s8 =	simm.s32 $0x0  }
0xca: {  	[tilespmem:s5], [sflag:$0x1] =	stream.indirect.gather.add.f32 [hbm:s3], $0x40, s10, s4, $0xb8;
	[tilespmem:$0xE800] =	vst v63  }
0xcb: {  	s9 =	simm.s32 $0x40;
	v1 =	vld [tilespmem:s8+$0xE00]  }
.LBB2_18:
0xcc: {  	p0 =	sne.s32 s9, $0x7C0  }
.Ltmp8:
0xcd: {  	_ = 	snop;
	(pc) =	sbr.rel @p0 .LBB2_18-.Ltmp8, $3  }
0xce: {  	_ =	sdelay $0x1  }
0xcf: {  	s10 =	sshra.s32 s9, $0x2;
	s9 =	sadd.s32 $0x40, s9;
	v2 =	vadd.s32 $0xAAE60, v1  }
0xd0: {  	v1 =	vld [tilespmem:s10+$0xE00];
	[tilespmem:s8+$0x4200] =	vst v2;
	s8 =	smov.u32 s10  }
0xd1: {  	_ =	sdelay $0x3  }
0xd2: {  	v1 =	vadd.s32 $0xAAE60, v1  }
0xd3: {  	s10 =	simm.s32 $0x4200;
	[tilespmem:s8+$0x4200] =	vst v1;
	s8 =	simm.s32 $0x0  }
0xd4: {  	[tilespmem:s5], [sflag:$0x1] =	stream.indirect.gather.add.f32 [hbm:s3], $0x40, s10, s4, $0xb8;
	[tilespmem:$0xE800] =	vst v63  }
0xd5: {  	s9 =	simm.s32 $0x40;
	v1 =	vld [tilespmem:s8+$0x1000]  }
.LBB2_20:
0xd6: {  	p0 =	sne.s32 s9, $0x7C0  }
.Ltmp9:
0xd7: {  	_ = 	snop;
	(pc) =	sbr.rel @p0 .LBB2_20-.Ltmp9, $3  }
0xd8: {  	_ =	sdelay $0x1  }
0xd9: {  	s10 =	sshra.s32 s9, $0x2;
	s9 =	sadd.s32 $0x40, s9;
	v2 =	vadd.s32 $0xC3500, v1  }
0xda: {  	v1 =	vld [tilespmem:s10+$0x1000];
	[tilespmem:s8+$0x4400] =	vst v2;
	s8 =	smov.u32 s10  }
0xdb: {  	_ =	sdelay $0x3  }
0xdc: {  	v1 =	vadd.s32 $0xC3500, v1  }
0xdd: {  	s10 =	simm.s32 $0x4400;
	[tilespmem:s8+$0x4400] =	vst v1;
	s8 =	simm.s32 $0x0  }
0xde: {  	[tilespmem:s5], [sflag:$0x1] =	stream.indirect.gather.add.f32 [hbm:s3], $0x40, s10, s4, $0xb8;
	[tilespmem:$0xE800] =	vst v63  }
0xdf: {  	s9 =	simm.s32 $0x40;
	v1 =	vld [tilespmem:s8+$0x1200]  }
.LBB2_22:
0xe0: {  	p0 =	sne.s32 s9, $0x7C0  }
.Ltmp10:
0xe1: {  	_ = 	snop;
	(pc) =	sbr.rel @p0 .LBB2_22-.Ltmp10, $3  }
0xe2: {  	_ =	sdelay $0x1  }
0xe3: {  	s10 =	sshra.s32 s9, $0x2;
	s9 =	sadd.s32 $0x40, s9;
	v2 =	vadd.s32 $0xDBBA0, v1  }
0xe4: {  	v1 =	vld [tilespmem:s10+$0x1200];
	[tilespmem:s8+$0x4600] =	vst v2;
	s8 =	smov.u32 s10  }
0xe5: {  	_ =	sdelay $0x3  }
0xe6: {  	v1 =	vadd.s32 $0xDBBA0, v1  }
0xe7: {  	s10 =	simm.s32 $0x4600;
	[tilespmem:s8+$0x4600] =	vst v1;
	s8 =	simm.s32 $0x0  }
0xe8: {  	[tilespmem:s5], [sflag:$0x1] =	stream.indirect.gather.add.f32 [hbm:s3], $0x40, s10, s4, $0xb8;
	[tilespmem:$0xE800] =	vst v63  }
0xe9: {  	s9 =	simm.s32 $0x40;
	v1 =	vld [tilespmem:s8+$0x1400]  }
.LBB2_24:
0xea: {  	p0 =	sne.s32 s9, $0x7C0  }
.Ltmp11:
0xeb: {  	_ = 	snop;
	(pc) =	sbr.rel @p0 .LBB2_24-.Ltmp11, $3  }
0xec: {  	_ =	sdelay $0x1  }
0xed: {  	s10 =	sshra.s32 s9, $0x2;
	s9 =	sadd.s32 $0x40, s9;
	v2 =	vadd.s32 $0xF4240, v1  }
0xee: {  	v1 =	vld [tilespmem:s10+$0x1400];
	[tilespmem:s8+$0x4800] =	vst v2;
	s8 =	smov.u32 s10  }
0xef: {  	_ =	sdelay $0x3  }
0xf0: {  	v1 =	vadd.s32 $0xF4240, v1  }
0xf1: {  	s10 =	simm.s32 $0x4800;
	[tilespmem:s8+$0x4800] =	vst v1;
	s8 =	simm.s32 $0x0  }
0xf2: {  	[tilespmem:s5], [sflag:$0x1] =	stream.indirect.gather.add.f32 [hbm:s3], $0x40, s10, s4, $0xb8;
	[tilespmem:$0xE800] =	vst v63  }
0xf3: {  	s9 =	simm.s32 $0x40;
	v1 =	vld [tilespmem:s8+$0x1600]  }
.LBB2_26:
0xf4: {  	p0 =	sne.s32 s9, $0x7C0  }
.Ltmp12:
0xf5: {  	_ = 	snop;
	(pc) =	sbr.rel @p0 .LBB2_26-.Ltmp12, $3  }
0xf6: {  	_ =	sdelay $0x1  }
0xf7: {  	s10 =	sshra.s32 s9, $0x2;
	s9 =	sadd.s32 $0x40, s9;
	v2 =	vadd.s32 $0x10C8E0, v1  }
0xf8: {  	v1 =	vld [tilespmem:s10+$0x1600];
	[tilespmem:s8+$0x4A00] =	vst v2;
	s8 =	smov.u32 s10  }
0xf9: {  	_ =	sdelay $0x3  }
0xfa: {  	v1 =	vadd.s32 $0x10C8E0, v1  }
0xfb: {  	s10 =	simm.s32 $0x4A00;
	[tilespmem:s8+$0x4A00] =	vst v1;
	s8 =	simm.s32 $0x0  }
0xfc: {  	[tilespmem:s5], [sflag:$0x1] =	stream.indirect.gather.add.f32 [hbm:s3], $0x40, s10, s4, $0xb8;
	[tilespmem:$0xE800] =	vst v63  }
0xfd: {  	s9 =	simm.s32 $0x40;
	v1 =	vld [tilespmem:s8+$0x1800]  }
.LBB2_28:
0xfe: {  	p0 =	sne.s32 s9, $0x7C0  }
.Ltmp13:
0xff: {  	_ = 	snop;
	(pc) =	sbr.rel @p0 .LBB2_28-.Ltmp13, $3  }
0x100: {  	_ =	sdelay $0x1  }
0x101: {  	s10 =	sshra.s32 s9, $0x2;
	s9 =	sadd.s32 $0x40, s9;
	v2 =	vadd.s32 $0x124F80, v1  }
0x102: {  	v1 =	vld [tilespmem:s10+$0x1800];
	[tilespmem:s8+$0x4C00] =	vst v2;
	s8 =	smov.u32 s10  }
0x103: {  	_ =	sdelay $0x3  }
0x104: {  	v1 =	vadd.s32 $0x124F80, v1  }
0x105: {  	s10 =	simm.s32 $0x4C00;
	[tilespmem:s8+$0x4C00] =	vst v1;
	s8 =	simm.s32 $0x0  }
0x106: {  	[tilespmem:s5], [sflag:$0x1] =	stream.indirect.gather.add.f32 [hbm:s3], $0x40, s10, s4, $0xb8;
	[tilespmem:$0xE800] =	vst v63  }
0x107: {  	s9 =	simm.s32 $0x40;
	v1 =	vld [tilespmem:s8+$0x1A00]  }
.LBB2_30:
0x108: {  	p0 =	sne.s32 s9, $0x7C0  }
.Ltmp14:
0x109: {  	_ = 	snop;
	(pc) =	sbr.rel @p0 .LBB2_30-.Ltmp14, $3  }
0x10a: {  	_ =	sdelay $0x1  }
0x10b: {  	s10 =	sshra.s32 s9, $0x2;
	s9 =	sadd.s32 $0x40, s9;
	v2 =	vadd.s32 $0x13D620, v1  }
0x10c: {  	v1 =	vld [tilespmem:s10+$0x1A00];
	[tilespmem:s8+$0x4E00] =	vst v2;
	s8 =	smov.u32 s10  }
0x10d: {  	_ =	sdelay $0x3  }
0x10e: {  	v1 =	vadd.s32 $0x13D620, v1  }
0x10f: {  	s10 =	simm.s32 $0x4E00;
	[tilespmem:s8+$0x4E00] =	vst v1;
	s8 =	simm.s32 $0x0  }
0x110: {  	[tilespmem:s5], [sflag:$0x1] =	stream.indirect.gather.add.f32 [hbm:s3], $0x40, s10, s4, $0xb8;
	[tilespmem:$0xE800] =	vst v63  }
0x111: {  	s9 =	simm.s32 $0x40;
	v1 =	vld [tilespmem:s8+$0x1C00]  }
.LBB2_32:
0x112: {  	p0 =	sne.s32 s9, $0x7C0  }
.Ltmp15:
0x113: {  	_ = 	snop;
	(pc) =	sbr.rel @p0 .LBB2_32-.Ltmp15, $3  }
0x114: {  	_ =	sdelay $0x1  }
0x115: {  	s10 =	sshra.s32 s9, $0x2;
	s9 =	sadd.s32 $0x40, s9;
	v2 =	vadd.s32 $0x155CC0, v1  }
0x116: {  	v1 =	vld [tilespmem:s10+$0x1C00];
	[tilespmem:s8+$0x5000] =	vst v2;
	s8 =	smov.u32 s10  }
0x117: {  	_ =	sdelay $0x3  }
0x118: {  	v1 =	vadd.s32 $0x155CC0, v1  }
0x119: {  	s10 =	simm.s32 $0x5000;
	[tilespmem:s8+$0x5000] =	vst v1;
	s8 =	simm.s32 $0x0  }
0x11a: {  	[tilespmem:s5], [sflag:$0x1] =	stream.indirect.gather.add.f32 [hbm:s3], $0x40, s10, s4, $0xb8;
	[tilespmem:$0xE800] =	vst v63  }
0x11b: {  	s9 =	simm.s32 $0x40;
	v1 =	vld [tilespmem:s8+$0x1E00]  }
.LBB2_34:
0x11c: {  	p0 =	sne.s32 s9, $0x7C0  }
.Ltmp16:
0x11d: {  	_ = 	snop;
	(pc) =	sbr.rel @p0 .LBB2_34-.Ltmp16, $3  }
0x11e: {  	_ =	sdelay $0x1  }
0x11f: {  	s10 =	sshra.s32 s9, $0x2;
	s9 =	sadd.s32 $0x40, s9;
	v2 =	vadd.s32 $0x16E360, v1  }
0x120: {  	v1 =	vld [tilespmem:s10+$0x1E00];
	[tilespmem:s8+$0x5200] =	vst v2;
	s8 =	smov.u32 s10  }
0x121: {  	_ =	sdelay $0x3  }
0x122: {  	v1 =	vadd.s32 $0x16E360, v1  }
0x123: {  	s10 =	simm.s32 $0x5200;
	[tilespmem:s8+$0x5200] =	vst v1;
	s8 =	simm.s32 $0x0  }
0x124: {  	[tilespmem:s5], [sflag:$0x1] =	stream.indirect.gather.add.f32 [hbm:s3], $0x40, s10, s4, $0xb8;
	[tilespmem:$0xE800] =	vst v63  }
0x125: {  	s9 =	simm.s32 $0x40;
	v1 =	vld [tilespmem:s8+$0x2000]  }
.LBB2_36:
0x126: {  	p0 =	sne.s32 s9, $0x7C0  }
.Ltmp17:
0x127: {  	_ = 	snop;
	(pc) =	sbr.rel @p0 .LBB2_36-.Ltmp17, $3  }
0x128: {  	_ =	sdelay $0x1  }
0x129: {  	s10 =	sshra.s32 s9, $0x2;
	s9 =	sadd.s32 $0x40, s9;
	v2 =	vadd.s32 $0x186A00, v1  }
0x12a: {  	v1 =	vld [tilespmem:s10+$0x2000];
	[tilespmem:s8+$0x5400] =	vst v2;
	s8 =	smov.u32 s10  }
0x12b: {  	_ =	sdelay $0x3  }
0x12c: {  	v1 =	vadd.s32 $0x186A00, v1  }
0x12d: {  	s10 =	simm.s32 $0x5400;
	[tilespmem:s8+$0x5400] =	vst v1;
	s8 =	simm.s32 $0x0  }
0x12e: {  	[tilespmem:s5], [sflag:$0x1] =	stream.indirect.gather.add.f32 [hbm:s3], $0x40, s10, s4, $0xb8;
	[tilespmem:$0xE800] =	vst v63  }
0x12f: {  	s9 =	simm.s32 $0x40;
	v1 =	vld [tilespmem:s8+$0x2200]  }
.LBB2_38:
0x130: {  	p0 =	sne.s32 s9, $0x7C0  }
.Ltmp18:
0x131: {  	_ = 	snop;
	(pc) =	sbr.rel @p0 .LBB2_38-.Ltmp18, $3  }
0x132: {  	_ =	sdelay $0x1  }
0x133: {  	s10 =	sshra.s32 s9, $0x2;
	s9 =	sadd.s32 $0x40, s9;
	v2 =	vadd.s32 $0x19F0A0, v1  }
0x134: {  	v1 =	vld [tilespmem:s10+$0x2200];
	[tilespmem:s8+$0x5600] =	vst v2;
	s8 =	smov.u32 s10  }
0x135: {  	_ =	sdelay $0x3  }
0x136: {  	v1 =	vadd.s32 $0x19F0A0, v1  }
0x137: {  	s10 =	simm.s32 $0x5600;
	[tilespmem:s8+$0x5600] =	vst v1;
	s8 =	simm.s32 $0x0  }
0x138: {  	[tilespmem:s5], [sflag:$0x1] =	stream.indirect.gather.add.f32 [hbm:s3], $0x40, s10, s4, $0xb8;
	[tilespmem:$0xE800] =	vst v63  }
0x139: {  	s9 =	simm.s32 $0x40;
	v1 =	vld [tilespmem:s8+$0x2400]  }
.LBB2_40:
0x13a: {  	p0 =	sne.s32 s9, $0x7C0  }
.Ltmp19:
0x13b: {  	_ = 	snop;
	(pc) =	sbr.rel @p0 .LBB2_40-.Ltmp19, $3  }
0x13c: {  	_ =	sdelay $0x1  }
0x13d: {  	s10 =	sshra.s32 s9, $0x2;
	s9 =	sadd.s32 $0x40, s9;
	v2 =	vadd.s32 $0x1B7740, v1  }
0x13e: {  	v1 =	vld [tilespmem:s10+$0x2400];
	[tilespmem:s8+$0x5800] =	vst v2;
	s8 =	smov.u32 s10  }
0x13f: {  	_ =	sdelay $0x3  }
0x140: {  	v1 =	vadd.s32 $0x1B7740, v1  }
0x141: {  	s10 =	simm.s32 $0x5800;
	[tilespmem:s8+$0x5800] =	vst v1;
	s8 =	simm.s32 $0x0  }
0x142: {  	[tilespmem:s5], [sflag:$0x1] =	stream.indirect.gather.add.f32 [hbm:s3], $0x40, s10, s4, $0xb8;
	[tilespmem:$0xE800] =	vst v63  }
0x143: {  	s9 =	simm.s32 $0x40;
	v1 =	vld [tilespmem:s8+$0x2600]  }
.LBB2_42:
0x144: {  	p0 =	sne.s32 s9, $0x7C0  }
.Ltmp20:
0x145: {  	_ = 	snop;
	(pc) =	sbr.rel @p0 .LBB2_42-.Ltmp20, $3  }
0x146: {  	_ =	sdelay $0x1  }
0x147: {  	s10 =	sshra.s32 s9, $0x2;
	s9 =	sadd.s32 $0x40, s9;
	v2 =	vadd.s32 $0x1CFDE0, v1  }
0x148: {  	v1 =	vld [tilespmem:s10+$0x2600];
	[tilespmem:s8+$0x5A00] =	vst v2;
	s8 =	smov.u32 s10  }
0x149: {  	_ =	sdelay $0x3  }
0x14a: {  	v1 =	vadd.s32 $0x1CFDE0, v1  }
0x14b: {  	s10 =	simm.s32 $0x5A00;
	[tilespmem:s8+$0x5A00] =	vst v1;
	s8 =	simm.s32 $0x0  }
0x14c: {  	[tilespmem:s5], [sflag:$0x1] =	stream.indirect.gather.add.f32 [hbm:s3], $0x40, s10, s4, $0xb8;
	[tilespmem:$0xE800] =	vst v63  }
0x14d: {  	s9 =	simm.s32 $0x40;
	v1 =	vld [tilespmem:s8+$0x2800]  }
.LBB2_44:
0x14e: {  	p0 =	sne.s32 s9, $0x7C0  }
.Ltmp21:
0x14f: {  	_ = 	snop;
	(pc) =	sbr.rel @p0 .LBB2_44-.Ltmp21, $3  }
0x150: {  	_ =	sdelay $0x1  }
0x151: {  	s10 =	sshra.s32 s9, $0x2;
	s9 =	sadd.s32 $0x40, s9;
	v2 =	vadd.s32 $0x1E8480, v1  }
0x152: {  	v1 =	vld [tilespmem:s10+$0x2800];
	[tilespmem:s8+$0x5C00] =	vst v2;
	s8 =	smov.u32 s10  }
0x153: {  	_ =	sdelay $0x3  }
0x154: {  	v1 =	vadd.s32 $0x1E8480, v1  }
0x155: {  	s10 =	simm.s32 $0x5C00;
	[tilespmem:s8+$0x5C00] =	vst v1;
	s8 =	simm.s32 $0x0  }
0x156: {  	[tilespmem:s5], [sflag:$0x1] =	stream.indirect.gather.add.f32 [hbm:s3], $0x40, s10, s4, $0xb8;
	[tilespmem:$0xE800] =	vst v63  }
0x157: {  	s9 =	simm.s32 $0x40;
	v1 =	vld [tilespmem:s8+$0x2A00]  }
.LBB2_46:
0x158: {  	p0 =	sne.s32 s9, $0x7C0  }
.Ltmp22:
0x159: {  	_ = 	snop;
	(pc) =	sbr.rel @p0 .LBB2_46-.Ltmp22, $3  }
0x15a: {  	_ =	sdelay $0x1  }
0x15b: {  	s10 =	sshra.s32 s9, $0x2;
	s9 =	sadd.s32 $0x40, s9;
	v2 =	vadd.s32 $0x200B20, v1  }
0x15c: {  	v1 =	vld [tilespmem:s10+$0x2A00];
	[tilespmem:s8+$0x5E00] =	vst v2;
	s8 =	smov.u32 s10  }
0x15d: {  	_ =	sdelay $0x3  }
0x15e: {  	v1 =	vadd.s32 $0x200B20, v1  }
0x15f: {  	s10 =	simm.s32 $0x5E00;
	[tilespmem:s8+$0x5E00] =	vst v1;
	s8 =	simm.s32 $0x0  }
0x160: {  	[tilespmem:s5], [sflag:$0x1] =	stream.indirect.gather.add.f32 [hbm:s3], $0x40, s10, s4, $0xb8;
	[tilespmem:$0xE800] =	vst v63  }
0x161: {  	s9 =	simm.s32 $0x40;
	v1 =	vld [tilespmem:s8+$0x2C00]  }
.LBB2_48:
0x162: {  	p0 =	sne.s32 s9, $0x7C0  }
.Ltmp23:
0x163: {  	_ = 	snop;
	(pc) =	sbr.rel @p0 .LBB2_48-.Ltmp23, $3  }
0x164: {  	_ =	sdelay $0x1  }
0x165: {  	s10 =	sshra.s32 s9, $0x2;
	s9 =	sadd.s32 $0x40, s9;
	v2 =	vadd.s32 $0x2191C0, v1  }
0x166: {  	v1 =	vld [tilespmem:s10+$0x2C00];
	[tilespmem:s8+$0x6000] =	vst v2;
	s8 =	smov.u32 s10  }
0x167: {  	_ =	sdelay $0x3  }
0x168: {  	v1 =	vadd.s32 $0x2191C0, v1  }
0x169: {  	s10 =	simm.s32 $0x6000;
	[tilespmem:s8+$0x6000] =	vst v1;
	s8 =	simm.s32 $0x0  }
0x16a: {  	[tilespmem:s5], [sflag:$0x1] =	stream.indirect.gather.add.f32 [hbm:s3], $0x40, s10, s4, $0xb8;
	[tilespmem:$0xE800] =	vst v63  }
0x16b: {  	s9 =	simm.s32 $0x40;
	v1 =	vld [tilespmem:s8+$0x2E00]  }
.LBB2_50:
0x16c: {  	p0 =	sne.s32 s9, $0x7C0  }
.Ltmp24:
0x16d: {  	_ = 	snop;
	(pc) =	sbr.rel @p0 .LBB2_50-.Ltmp24, $3  }
0x16e: {  	_ =	sdelay $0x1  }
0x16f: {  	s10 =	sshra.s32 s9, $0x2;
	s9 =	sadd.s32 $0x40, s9;
	v2 =	vadd.s32 $0x231860, v1  }
0x170: {  	v1 =	vld [tilespmem:s10+$0x2E00];
	[tilespmem:s8+$0x6200] =	vst v2;
	s8 =	smov.u32 s10  }
0x171: {  	_ =	sdelay $0x3  }
0x172: {  	v1 =	vadd.s32 $0x231860, v1  }
0x173: {  	s10 =	simm.s32 $0x6200;
	[tilespmem:s8+$0x6200] =	vst v1;
	s8 =	simm.s32 $0x0  }
0x174: {  	[tilespmem:s5], [sflag:$0x1] =	stream.indirect.gather.add.f32 [hbm:s3], $0x40, s10, s4, $0xb8;
	[tilespmem:$0xE800] =	vst v63  }
0x175: {  	s9 =	simm.s32 $0x40;
	v1 =	vld [tilespmem:s8+$0x3000]  }
.LBB2_52:
0x176: {  	p0 =	sne.s32 s9, $0x7C0  }
.Ltmp25:
0x177: {  	_ = 	snop;
	(pc) =	sbr.rel @p0 .LBB2_52-.Ltmp25, $3  }
0x178: {  	_ =	sdelay $0x1  }
0x179: {  	s10 =	sshra.s32 s9, $0x2;
	s9 =	sadd.s32 $0x40, s9;
	v2 =	vadd.s32 $0x249F00, v1  }
0x17a: {  	v1 =	vld [tilespmem:s10+$0x3000];
	[tilespmem:s8+$0x6400] =	vst v2;
	s8 =	smov.u32 s10  }
0x17b: {  	_ =	sdelay $0x3  }
0x17c: {  	v1 =	vadd.s32 $0x249F00, v1  }
0x17d: {  	s10 =	simm.s32 $0x6400;
	[tilespmem:s8+$0x6400] =	vst v1;
	s8 =	simm.s32 $0x0  }
0x17e: {  	[tilespmem:s5], [sflag:$0x1] =	stream.indirect.gather.add.f32 [hbm:s3], $0x40, s10, s4, $0xb8;
	[tilespmem:$0xE800] =	vst v63  }
0x17f: {  	s9 =	simm.s32 $0x40;
	v1 =	vld [tilespmem:s8+$0x3200]  }
.LBB2_54:
0x180: {  	p0 =	sne.s32 s9, $0x7C0  }
.Ltmp26:
0x181: {  	_ = 	snop;
	(pc) =	sbr.rel @p0 .LBB2_54-.Ltmp26, $3  }
0x182: {  	_ =	sdelay $0x1  }
0x183: {  	s10 =	sshra.s32 s9, $0x2;
	s9 =	sadd.s32 $0x40, s9;
	v2 =	vadd.s32 $0x2625A0, v1  }
0x184: {  	v1 =	vld [tilespmem:s10+$0x3200];
	[tilespmem:s8+$0x6600] =	vst v2;
	s8 =	smov.u32 s10  }
0x185: {  	_ =	sdelay $0x3  }
0x186: {  	v1 =	vadd.s32 $0x2625A0, v1  }
0x187: {  	s10 =	simm.s32 $0x6600;
	[tilespmem:s8+$0x6600] =	vst v1  }
0x188: {  	[tilespmem:s5], [sflag:$0x1] =	stream.indirect.gather.add.f32 [hbm:s3], $0x40, s10, s4, $0xb8;
	[tilespmem:$0xE800] =	vst v63  }
0x189: {  	_ =	swait.ge [sflag:s6], $0x8000  }
0x18a: {  	[sflag:s6] =	ssyncset.done $0x0  }
0x18b: {  	[sflag:s6] =	ssyncadd.s32 $0xFFFF8000  }
0x18c: {  	_ =	swait.ge [sflag:s6], $0x8000  }
0x18d: {  	[sflag:s6] =	ssyncset.done $0x0  }
0x18e: {  	[sflag:s6] =	ssyncadd.s32 $0xFFFF8000  }
0x18f: {  	_ =	swait.ge [sflag:s6], $0x8000  }
0x190: {  	[sflag:s6] =	ssyncset.done $0x0  }
0x191: {  	[sflag:s6] =	ssyncadd.s32 $0xFFFF8000  }
0x192: {  	_ =	swait.ge [sflag:s6], $0x8000  }
0x193: {  	[sflag:s6] =	ssyncset.done $0x0  }
0x194: {  	[sflag:s6] =	ssyncadd.s32 $0xFFFF8000  }
0x195: {  	_ =	swait.ge [sflag:s6], $0x8000  }
0x196: {  	[sflag:s6] =	ssyncset.done $0x0  }
0x197: {  	[sflag:s6] =	ssyncadd.s32 $0xFFFF8000  }
0x198: {  	_ =	swait.ge [sflag:s6], $0x8000  }
0x199: {  	[sflag:s6] =	ssyncset.done $0x0  }
0x19a: {  	[sflag:s6] =	ssyncadd.s32 $0xFFFF8000  }
0x19b: {  	_ =	swait.ge [sflag:s6], $0x8000  }
0x19c: {  	[sflag:s6] =	ssyncset.done $0x0  }
0x19d: {  	[sflag:s6] =	ssyncadd.s32 $0xFFFF8000  }
0x19e: {  	_ =	swait.ge [sflag:s6], $0x8000  }
0x19f: {  	[sflag:s6] =	ssyncset.done $0x0  }
0x1a0: {  	[sflag:s6] =	ssyncadd.s32 $0xFFFF8000  }
0x1a1: {  	_ =	swait.ge [sflag:s6], $0x8000  }
0x1a2: {  	[sflag:s6] =	ssyncset.done $0x0  }
0x1a3: {  	[sflag:s6] =	ssyncadd.s32 $0xFFFF8000  }
0x1a4: {  	_ =	swait.ge [sflag:s6], $0x8000  }
0x1a5: {  	[sflag:s6] =	ssyncset.done $0x0  }
0x1a6: {  	[sflag:s6] =	ssyncadd.s32 $0xFFFF8000  }
0x1a7: {  	_ =	swait.ge [sflag:s6], $0x8000  }
0x1a8: {  	[sflag:s6] =	ssyncset.done $0x0  }
0x1a9: {  	[sflag:s6] =	ssyncadd.s32 $0xFFFF8000  }
0x1aa: {  	_ =	swait.ge [sflag:s6], $0x8000  }
0x1ab: {  	[sflag:s6] =	ssyncset.done $0x0  }
0x1ac: {  	[sflag:s6] =	ssyncadd.s32 $0xFFFF8000  }
0x1ad: {  	_ =	swait.ge [sflag:s6], $0x8000  }
0x1ae: {  	[sflag:s6] =	ssyncset.done $0x0  }
0x1af: {  	[sflag:s6] =	ssyncadd.s32 $0xFFFF8000  }
0x1b0: {  	_ =	swait.ge [sflag:s6], $0x8000  }
0x1b1: {  	[sflag:s6] =	ssyncset.done $0x0  }
0x1b2: {  	[sflag:s6] =	ssyncadd.s32 $0xFFFF8000  }
0x1b3: {  	_ =	swait.ge [sflag:s6], $0x8000  }
0x1b4: {  	[sflag:s6] =	ssyncset.done $0x0  }
0x1b5: {  	[sflag:s6] =	ssyncadd.s32 $0xFFFF8000  }
0x1b6: {  	_ =	swait.ge [sflag:s6], $0x8000  }
0x1b7: {  	[sflag:s6] =	ssyncset.done $0x0  }
0x1b8: {  	[sflag:s6] =	ssyncadd.s32 $0xFFFF8000  }
0x1b9: {  	_ =	swait.ge [sflag:s6], $0x8000  }
0x1ba: {  	[sflag:s6] =	ssyncset.done $0x0  }
0x1bb: {  	[sflag:s6] =	ssyncadd.s32 $0xFFFF8000  }
0x1bc: {  	_ =	swait.ge [sflag:s6], $0x8000  }
0x1bd: {  	[sflag:s6] =	ssyncset.done $0x0  }
0x1be: {  	[sflag:s6] =	ssyncadd.s32 $0xFFFF8000  }
0x1bf: {  	_ =	swait.ge [sflag:s6], $0x8000  }
0x1c0: {  	[sflag:s6] =	ssyncset.done $0x0  }
0x1c1: {  	[sflag:s6] =	ssyncadd.s32 $0xFFFF8000  }
0x1c2: {  	_ =	swait.ge [sflag:s6], $0x8000  }
0x1c3: {  	[sflag:s6] =	ssyncset.done $0x0  }
0x1c4: {  	[sflag:s6] =	ssyncadd.s32 $0xFFFF8000  }
0x1c5: {  	_ =	swait.ge [sflag:s6], $0x8000  }
0x1c6: {  	[sflag:s6] =	ssyncset.done $0x0  }
0x1c7: {  	[sflag:s6] =	ssyncadd.s32 $0xFFFF8000  }
0x1c8: {  	_ =	swait.ge [sflag:s6], $0x8000  }
0x1c9: {  	[sflag:s6] =	ssyncset.done $0x0  }
0x1ca: {  	[sflag:s6] =	ssyncadd.s32 $0xFFFF8000  }
0x1cb: {  	_ =	swait.ge [sflag:s6], $0x8000  }
0x1cc: {  	[sflag:s6] =	ssyncset.done $0x0  }
0x1cd: {  	[sflag:s6] =	ssyncadd.s32 $0xFFFF8000  }
0x1ce: {  	_ =	swait.ge [sflag:s6], $0x8000  }
0x1cf: {  	[sflag:s6] =	ssyncset.done $0x0  }
0x1d0: {  	[sflag:s6] =	ssyncadd.s32 $0xFFFF8000  }
0x1d1: {  	_ =	swait.ge [sflag:s6], $0x8000  }
0x1d2: {  	[sflag:s6] =	ssyncset.done $0x0  }
0x1d3: {  	[sflag:s6] =	ssyncadd.s32 $0xFFFF8000  }
0x1d4: {  	s7 =	sadd.s32 $0x1, s7;
	_ =	swait.ge [sflag:s6], $0x8000  }
0x1d5: {  	p0 =	sne.s32 s7, s0;
	[sflag:s6] =	ssyncset.done $0x0  }
.Ltmp27:
0x1d6: {  	[sflag:s6] =	ssyncadd.s32 $0xFFFF8000;
	(pc) =	sbr.rel @p0 .LBB2_1-.Ltmp27, $4  }
0x1d7: {  	[hbm4b:s22+s2] =	stream.linear.scatter [tilespmem:s5], [sflag:$0x2], $0x8000, $0x38;
	[tilespmem:$0xE800] =	vst v63  }
0x1d8: {  	_ =	swait.ge [sflag:s1], $0x8000  }
0x1d9: {  	[sflag:s1] =	ssyncset.done $0x0  }
0x1da: {  	[sflag:s1] =	ssyncadd.s32 $0xFFFF8000  }
0x1db: {  	_ =	sfence.sel $0x180000  }
0x1dc: {  	[bflag:$0x0] =	sbarrier.arrive $0xFFFF  }
0x1dd: {  	_ =	strace $0x90000047  }
0x1de: {  	s0 =	stileid.u32;
	[bflag:$0x2] =	sbarrier.arrive $0xFFFF  }
0x1df: {  	p0 =	sne.s32 s0, $0x0;
	s0 =	rddreg [dreg:$0x2]  }
0x1e0: {  	s0 =	sadd.s32 @!p0 $0x100000, s0  }
0x1e1: {  	[sflag:s0] =	ssyncadd.tile.s32 @!p0 $0x1;
	_ =	shalt  }
.Lfunc_end2:
_tile_overlayer_lowered:
.L_overlay_start_2:
0x1e2: {  	(tag) =	ssettag $0x2  }
0x1e3: {  	s0 =	rddreg [dreg:$0x0];
	s2 =	stileid.u32  }
0x1e4: {  	s1 =	rddreg [dreg:$0x1];
	p0 =	sne.s32 s2, $0x0  }
0x1e5: {  	s3 =	rddreg [dreg:$0x2];
	[bflag:$0x3] =	sbarrier.arrive $0xFFFF;
	s2 =	simm.s32 @!p0 $0x1C02  }
0x1e6: {  	[timem:s3], [sflag:s2] =	dma.local @!p0 [hbm:s0], s1  }
0x1e7: {  	s0 =	simm.s32 @!p0 $0x2  }
0x1e8: {  	_ =	swait.ge @!p0 [sflag:s0], s1  }
0x1e9: {  	s1 =	ssub.s32 @!p0 $0x0, s1;
	[sflag:s0] =	ssyncset.done @!p0 $0x0  }
0x1ea: {  	[sflag:s0] =	ssyncadd.s32 @!p0 s1  }
0x1eb: {  	[bflag:$0x3] =	sbarrier.arrive $0xFFFF  }
0x1ec: {  	_ =	shalt  }

</sc_bundles>
